<compile_context>
chip_gen: v7x
topology: tpu7x:2x2x1
jax: 0.10.2.dev20260603
libtpu: 0.0.44.dev20260713+nightly
codegen_flags: <defaults>
</compile_context>

<pallas_src>
import functools

import jax
import jax.numpy as jnp
from jax import lax
from jax.experimental import pallas as pl
from jax.experimental.pallas import tpu as pltpu
from jax.experimental.pallas import tpu_sc as plsc

_G = 512
_F = 8
_D = 256
_BLK = 512
_NEG = -3.4e38

_NS = 16
_NC = 2
_GP = 520


def _fv_body(x_ref, filw_ref, filb_ref, fv_ref):
    fv = jnp.dot(x_ref[...], filw_ref[...], preferred_element_type=jnp.float32)
    fv_ref[...] = fv + filb_ref[...]


def _out_body(x_ref, fv_ref, death_ref, rep_ref, p_ref, w1_ref, w2_ref,
              outb_ref, rhr_ref, out_ref):
    rep = rep_ref[...]
    b = jnp.dot(fv_ref[...], rep, preferred_element_type=jnp.float32)
    d = jnp.dot(death_ref[...], rep, preferred_element_type=jnp.float32)

    tt = p_ref[0:1, :]
    mu0 = p_ref[1:2, :]
    mu1 = p_ref[2:3, :]
    isig = p_ref[3:4, :]
    w0 = p_ref[4:5, :]
    w1 = p_ref[5:6, :]
    lb = p_ref[6:7, :]
    c0 = p_ref[7:8, :]
    c1 = p_ref[8:9, :]
    tcol = p_ref[9:10, :]

    tri = jax.nn.relu(d - jnp.abs(tt - b))
    gauss = jnp.exp(((b - mu0) ** 2 + (d - mu1) ** 2) * isig)
    line = b * w0 + d * w1 + lb
    r_abs = jnp.abs(rhr_ref[0])
    l1 = jnp.abs(b - c0) + jnp.abs(d - c1)
    b1 = 1.0 + l1
    b2 = 1.0 + jnp.abs(r_abs - l1)
    rh = (b2 - b1) / (b1 * b2)
    coord = jnp.where(tcol < 0.5, tri,
                      jnp.where(tcol < 1.5, gauss,
                                jnp.where(tcol < 2.5, line, rh)))

    out = jnp.dot(x_ref[...], w1_ref[...], preferred_element_type=jnp.float32)
    out = out + jnp.dot(coord, w2_ref[...], preferred_element_type=jnp.float32)
    out_ref[...] = out + outb_ref[...]


def _vperm16(x, idx):
    dn = lax.GatherDimensionNumbers(
        offset_dims=(), collapsed_slice_dims=(0,), start_index_map=(0,))
    return lax.gather(x, idx[:, None], dn, slice_sizes=(1,),
                      mode=lax.GatherScatterMode.PROMISE_IN_BOUNDS)


def _sc_segmax_death(fv_flat, batch_p, n_pad):
    chunk = n_pad // _NS
    pairs = chunk // 2
    nstr = 4
    spairs = pairs // nstr
    dchunk = n_pad // (_NS * _NC)
    dpairs = dchunk // 2
    dstr = 4
    sdpairs = dpairs // dstr
    slc = (_G * _F) // _NS
    mesh = plsc.VectorSubcoreMesh(core_axis_name="c", subcore_axis_name="s")

    @functools.partial(
        pl.kernel, mesh=mesh,
        compiler_params=pltpu.CompilerParams(needs_layout_passes=False),
        out_type=jax.ShapeDtypeStruct((n_pad * _F,), jnp.float32),
        scratch_types=[
            pltpu.VMEM((chunk * _F,), jnp.float32),
            pltpu.VMEM((chunk,), jnp.int32),
            pltpu.VMEM((chunk * _F,), jnp.int32),
            pltpu.VMEM((_GP * _F,), jnp.float32),
            pltpu.VMEM((_GP * _F,), jnp.float32),
            pltpu.VMEM((_GP * _F,), jnp.float32),
            pltpu.VMEM((_GP * _F,), jnp.float32),
            pltpu.VMEM((_NS, slc), jnp.float32),
            pltpu.VMEM((_GP * _F,), jnp.float32),
            pltpu.VMEM((dchunk * _F,), jnp.float32),
            pltpu.VMEM_SHARED((_NS, _GP * _F), jnp.float32),
            pltpu.VMEM_SHARED((_G * _F,), jnp.float32),
        ],
    )
    def sc_kernel(fv_hbm, batch_hbm, death_hbm,
                  fvv, bv, idxv, localv, localv1, localv2, localv3,
                  stagev, finalv, deathv, sh_loc, sh_fin):
        locals_ = (localv, localv1, localv2, localv3)
        c = lax.axis_index("c")
        s = lax.axis_index("s")
        wid = s * _NC + c

        i16 = lax.iota(jnp.int32, 16)
        node_off = lax.shift_right_logical(i16, 3)
        feat = lax.bitwise_and(i16, 7)
        perm = lax.bitwise_xor(i16, 8)

        neg = jnp.full((16,), _NEG, jnp.float32)

        def init_body(j, _):
            for lv in locals_:
                lv[pl.ds(j * 16, 16)] = neg
            return _
        lax.fori_loop(0, (_GP * _F) // 16, init_body, None)

        pltpu.sync_copy(fv_hbm.at[pl.ds(s * chunk * _F, chunk * _F)], fvv)
        pltpu.sync_copy(batch_hbm.at[pl.ds(s * chunk, chunk)], bv)

        def scan_body(i, _):
            for k in range(nstr):
                p = k * spairs + i
                base = p * 16
                v = fvv[pl.ds(base, 16)]
                g = plsc.load_gather(bv, [node_off + 2 * p])
                idx = g * 8 + feat
                idxv[pl.ds(base, 16)] = idx
                lv = locals_[k]
                old = plsc.load_gather(lv, [idx])
                new = jnp.maximum(old, v)
                idx_sw = _vperm16(idx, perm)
                new_sw = _vperm16(new, perm)
                new = jnp.where(idx == idx_sw, jnp.maximum(new, new_sw), new)
                plsc.store_scatter(lv, [idx], new)
            return _
        lax.fori_loop(0, spairs, scan_body, None)

        def merge_body(j, _):
            m = jnp.maximum(
                jnp.maximum(localv[pl.ds(j * 16, 16)],
                            localv1[pl.ds(j * 16, 16)]),
                jnp.maximum(localv2[pl.ds(j * 16, 16)],
                            localv3[pl.ds(j * 16, 16)]))
            localv[pl.ds(j * 16, 16)] = m
            return _
        lax.fori_loop(0, (_GP * _F) // 16, merge_body, None)

        pltpu.sync_copy(localv, sh_loc.at[s])
        plsc.subcore_barrier()

        pltpu.sync_copy(sh_loc.at[:, pl.ds(s * slc, slc)], stagev)

        def comb_body(j, _):
            m = stagev[0, pl.ds(j * 16, 16)]
            def inner(t, m):
                return jnp.maximum(m, stagev[t, pl.ds(j * 16, 16)])
            m = lax.fori_loop(1, _NS, inner, m)
            finalv[pl.ds(j * 16, 16)] = m
            return _
        lax.fori_loop(0, slc // 16, comb_body, None)
        pltpu.sync_copy(finalv.at[pl.ds(0, slc)],
                        sh_fin.at[pl.ds(s * slc, slc)])
        plsc.subcore_barrier()

        pltpu.sync_copy(sh_fin, finalv.at[pl.ds(0, _G * _F)])
        zero = jnp.zeros((16,), jnp.float32)

        def zpad_body(j, _):
            finalv[pl.ds(_G * _F + j * 16, 16)] = zero
            return _
        lax.fori_loop(0, ((_GP - _G) * _F) // 16, zpad_body, None)

        ibase = c * dchunk * _F

        def death_body(j, _):
            for k in range(dstr):
                off = (k * sdpairs + j) * 16
                idx = idxv[pl.ds(ibase + off, 16)]
                deathv[pl.ds(off, 16)] = plsc.load_gather(finalv, [idx])
            return _
        lax.fori_loop(0, sdpairs, death_body, None)

        pltpu.sync_copy(deathv,
                        death_hbm.at[pl.ds(wid * dchunk * _F, dchunk * _F)])

    return sc_kernel(fv_flat, batch_p)


def kernel(x, batch, fil_W, fil_b, tri_t, gauss_mu, gauss_sigma,
           line_W, line_b, rh_c, rh_r, out_W, out_b):
    n = x.shape[0]
    nblk = (n + _BLK - 1) // _BLK
    n_pad = nblk * _BLK
    batch_p = jnp.pad(batch, (0, n_pad - n), constant_values=_G)

    fv = pl.pallas_call(
        _fv_body,
        grid=(nblk,),
        in_specs=[
            pl.BlockSpec((_BLK, _D), lambda i: (i, 0)),
            pl.BlockSpec((_D, _F), lambda i: (0, 0)),
            pl.BlockSpec((1, _F), lambda i: (0, 0)),
        ],
        out_specs=pl.BlockSpec((_BLK, _F), lambda i: (i, 0)),
        out_shape=jax.ShapeDtypeStruct((n_pad, _F), jnp.float32),
    )(x, fil_W, fil_b.reshape(1, _F))

    death = _sc_segmax_death(fv.reshape(-1), batch_p, n_pad)
    death = death.reshape(n_pad, _F)

    nc = 12 * _F
    j = jnp.arange(nc, dtype=jnp.int32) % 12
    k3 = jnp.clip(j, 0, 2)
    kg = jnp.clip(j - 3, 0, 2)
    kl = jnp.clip(j - 6, 0, 2)
    kr = jnp.clip(j - 9, 0, 2)
    tcol = ((j >= 3).astype(jnp.float32) + (j >= 6).astype(jnp.float32)
            + (j >= 9).astype(jnp.float32))
    isig = jnp.where(tcol == 1.0,
                     -1.0 / (2.0 * gauss_sigma[kg] ** 2), -1.0)
    params = jnp.stack([
        tri_t[k3], gauss_mu[kg, 0], gauss_mu[kg, 1], isig,
        line_W[0, kl], line_W[1, kl], line_b[kl],
        rh_c[kr, 0], rh_c[kr, 1], tcol,
    ])
    params = jnp.pad(params, ((0, 6), (0, 0)))
    rep = (jnp.arange(nc, dtype=jnp.int32)[None, :] // 12
           == jnp.arange(_F, dtype=jnp.int32)[:, None]).astype(jnp.float32)

    smem = pl.BlockSpec(memory_space=pltpu.SMEM)
    out_p = pl.pallas_call(
        _out_body,
        grid=(nblk,),
        in_specs=[
            pl.BlockSpec((_BLK, _D), lambda i: (i, 0)),
            pl.BlockSpec((_BLK, _F), lambda i: (i, 0)),
            pl.BlockSpec((_BLK, _F), lambda i: (i, 0)),
            pl.BlockSpec((_F, nc), lambda i: (0, 0)),
            pl.BlockSpec((16, nc), lambda i: (0, 0)),
            pl.BlockSpec((_D, _D), lambda i: (0, 0)),
            pl.BlockSpec((nc, _D), lambda i: (0, 0)),
            pl.BlockSpec((1, _D), lambda i: (0, 0)),
            smem,
        ],
        out_specs=pl.BlockSpec((_BLK, _D), lambda i: (i, 0)),
        out_shape=jax.ShapeDtypeStruct((n, _D), jnp.float32),
    )(x, fv, death, rep, params, out_W[:_D], out_W[_D:],
      out_b.reshape(1, _D), rh_r)

    return out_p

# --- scband reference (transcript-rebuilt; emitter-appended) ---
"""Pipeline reference for scband-topology-layer-34239479283880 (READ-ONLY COPY).

The authoritative reference and input builder live on the scoring server;
editing this copy changes nothing except your own understanding.
"""

import jax, jax.numpy as jnp
import numpy as np

N_NODES = 50000
D_FEAT = 256
NUM_GRAPHS = 512
NUM_FILTRATIONS = 8
COORD_DIM = 3  # per coord-fun type; 4 types -> 12 total
TOTAL_COORD = 12


def setup_inputs(seed: int = 0) -> dict:
    key = jax.random.key(seed)
    ks = jax.random.split(key, 12)
    x = jax.random.normal(ks[0], (N_NODES, D_FEAT), dtype=jnp.float32)
    batch = jnp.sort(jax.random.randint(ks[1], (N_NODES,), 0, NUM_GRAPHS)).astype(jnp.int32)
    # filtration linear: features_in -> num_filtrations
    fil_W = jax.random.normal(ks[2], (D_FEAT, NUM_FILTRATIONS), dtype=jnp.float32) / jnp.sqrt(D_FEAT)
    fil_b = jnp.zeros((NUM_FILTRATIONS,), dtype=jnp.float32)
    # Triangle_transform params
    tri_t = jax.random.normal(ks[3], (COORD_DIM,), dtype=jnp.float32)
    # Gaussian_transform params
    gauss_mu = jax.random.normal(ks[4], (COORD_DIM, 2), dtype=jnp.float32)
    gauss_sigma = jnp.abs(jax.random.normal(ks[5], (COORD_DIM,), dtype=jnp.float32)) + 0.5
    # Line_transform params (linear 2 -> COORD_DIM)
    line_W = jax.random.normal(ks[6], (2, COORD_DIM), dtype=jnp.float32)
    line_b = jnp.zeros((COORD_DIM,), dtype=jnp.float32)
    # RationalHat_transform params
    rh_c = jax.random.normal(ks[7], (COORD_DIM, 2), dtype=jnp.float32)
    rh_r = jax.random.normal(ks[8], (1,), dtype=jnp.float32)
    # output linear: features_in + num_filtrations * total_coord -> features_out
    in_out = D_FEAT + NUM_FILTRATIONS * TOTAL_COORD
    out_W = jax.random.normal(ks[9], (in_out, D_FEAT), dtype=jnp.float32) / jnp.sqrt(in_out)
    out_b = jnp.zeros((D_FEAT,), dtype=jnp.float32)
    return {"x": x, "batch": batch, "fil_W": fil_W, "fil_b": fil_b,
            "tri_t": tri_t, "gauss_mu": gauss_mu, "gauss_sigma": gauss_sigma,
            "line_W": line_W, "line_b": line_b, "rh_c": rh_c, "rh_r": rh_r,
            "out_W": out_W, "out_b": out_b}


def _batch_persistence_routine(fv, batch):
    # 0-dim persistence surrogate: pair each node filtration value with
    # its graph's maximum filtration value (death of the component).
    seg_max = jax.ops.segment_max(fv, batch, num_segments=NUM_GRAPHS)
    return jnp.stack([fv, seg_max[batch]], axis=1)  # [N, 2]


def _coord_fun(p, tri_t, gauss_mu, gauss_sigma, line_W, line_b, rh_c, rh_r):
    # Triangle point transform
    tri = jax.nn.relu(p[:, 1:2] - jnp.abs(tri_t[None, :] - p[:, 0:1]))
    # Gaussian point transform
    d2 = jnp.sum((p[:, None, :] - gauss_mu[None, :, :]) ** 2, axis=-1)
    gauss = jnp.exp(-d2 / (2.0 * gauss_sigma[None, :] ** 2))
    # Line point transform
    line = p @ line_W + line_b
    # Rational hat transform (L1 distance)
    l1 = jnp.sum(jnp.abs(p[:, None, :] - rh_c[None, :, :]), axis=-1)
    rh = 1.0 / (1.0 + l1) - 1.0 / (1.0 + jnp.abs(jnp.abs(rh_r) - l1))
    return jnp.concatenate([tri, gauss, line, rh], axis=1)  # [N, 12]


def reference(x, batch, fil_W, fil_b, tri_t, gauss_mu, gauss_sigma,
              line_W, line_b, rh_c, rh_r, out_W, out_b):
    filtered_v = x @ fil_W + fil_b  # [N, num_filtrations]
    coord_acts = []
    for f_idx in range(NUM_FILTRATIONS):
        pers = _batch_persistence_routine(filtered_v[:, f_idx], batch)
        coord_acts.append(_coord_fun(pers, tri_t, gauss_mu, gauss_sigma,
                                     line_W, line_b, rh_c, rh_r))
    coord_activations = jnp.concatenate(coord_acts, axis=1)  # [N, 8*12]
    concat_activations = jnp.concatenate([x, coord_activations], axis=1)
    out_activations = concat_activations @ out_W + out_b
    return out_activations

if __name__ == "__main__":
    import jax
    _d = setup_inputs()
    print(jax.jit(kernel)(*tuple(_d.values())))

</pallas_src>

<mosaic_0001>
#map = affine_map<(d0, d1) -> (0)>
module attributes {stable_mosaic.version = 14 : i64} {
  func.func @sc_kernel(%arg0: i32, %arg1: i32, %arg2: memref<401408xf32, #tpu.memory_space<hbm>>, %arg3: memref<50176xi32, #tpu.memory_space<hbm>>, %arg4: memref<401408xf32, #tpu.memory_space<hbm>>, %arg5: memref<25088xf32, #tpu.memory_space<vmem>>, %arg6: memref<3136xi32, #tpu.memory_space<vmem>>, %arg7: memref<25088xi32, #tpu.memory_space<vmem>>, %arg8: memref<4160xf32, #tpu.memory_space<vmem>>, %arg9: memref<4160xf32, #tpu.memory_space<vmem>>, %arg10: memref<4160xf32, #tpu.memory_space<vmem>>, %arg11: memref<4160xf32, #tpu.memory_space<vmem>>, %arg12: memref<16x256xf32, #tpu.memory_space<vmem>>, %arg13: memref<4160xf32, #tpu.memory_space<vmem>>, %arg14: memref<12544xf32, #tpu.memory_space<vmem>>, %arg15: memref<16x4160xf32, #tpu.memory_space<vmem_shared>>, %arg16: memref<4096xf32, #tpu.memory_space<vmem_shared>>) attributes {dimension_semantics = [#tpu.dimension_semantics<core_parallel>, #tpu.dimension_semantics<subcore_parallel>], iteration_bounds = array<i64: 2, 16>, scalar_prefetch = 0 : i64, scratch_operands = 12 : i64, tpu.core_type = #tpu.core_type<sc_vector_subcore>, window_params = [{transform_indices = #map}, {transform_indices = #map}, {transform_indices = #map}]} {
    %mul3A = arith.constant 2 : i32
    %mul3A_0 = arith.muli %arg1, %mul3A : i32
    %add3A = arith.addi %mul3A_0, %arg0 : i32
    %iota3A = tpu.iota {dimensions = array<i32: 0>} : vector<16xi32>
    %shift_right_logical3A = arith.constant 3 : i32
    %shift_right_logical3A_1 = vector.broadcast %shift_right_logical3A : i32 to vector<16xi32>
    %shift_right_logical3A_2 = arith.shrui %iota3A, %shift_right_logical3A_1 : vector<16xi32>
    %and3A = arith.constant 7 : i32
    %and3A_3 = vector.broadcast %and3A : i32 to vector<16xi32>
    %and3A_4 = arith.andi %iota3A, %and3A_3 : vector<16xi32>
    %xor3A = arith.constant 8 : i32
    %xor3A_5 = vector.broadcast %xor3A : i32 to vector<16xi32>
    %xor3A_6 = arith.xori %iota3A, %xor3A_5 : vector<16xi32>
    %broadcast_in_dim3A = arith.constant -3.400000e+38 : f32
    %broadcast_in_dim3A_7 = vector.broadcast %broadcast_in_dim3A : f32 to vector<16xf32>
    %scan3A = arith.constant 0 : i32
    %scan3A_8 = arith.constant 260 : i32
    %scan3A_9 = arith.addi %scan3A, %scan3A_8 : i32
    %scan3A_10 = arith.constant 1 : i32
    scf.for %scan3A_58 = %scan3A to %scan3A_9 step %scan3A_10  : i32 {
      %mul3A_59 = arith.constant 16 : i32
      %mul3A_60 = arith.muli %scan3A_58, %mul3A_59 : i32
      %swap3A = arith.index_cast %mul3A_60 : i32 to index
      %swap3A_61 = tpu.vector_load %arg8[%swap3A] {strides = array<i32>} : memref<4160xf32, #tpu.memory_space<vmem>>, vector<16xf32>,
      tpu.vector_store %arg8[%swap3A], %broadcast_in_dim3A_7 {strides = array<i32>} : memref<4160xf32, #tpu.memory_space<vmem>>, vector<16xf32>,
      %mul3A_62 = arith.constant 16 : i32
      %mul3A_63 = arith.muli %scan3A_58, %mul3A_62 : i32
      %swap3A_64 = arith.index_cast %mul3A_63 : i32 to index
      %swap3A_65 = tpu.vector_load %arg9[%swap3A_64] {strides = array<i32>} : memref<4160xf32, #tpu.memory_space<vmem>>, vector<16xf32>,
      tpu.vector_store %arg9[%swap3A_64], %broadcast_in_dim3A_7 {strides = array<i32>} : memref<4160xf32, #tpu.memory_space<vmem>>, vector<16xf32>,
      %mul3A_66 = arith.constant 16 : i32
      %mul3A_67 = arith.muli %scan3A_58, %mul3A_66 : i32
      %swap3A_68 = arith.index_cast %mul3A_67 : i32 to index
      %swap3A_69 = tpu.vector_load %arg10[%swap3A_68] {strides = array<i32>} : memref<4160xf32, #tpu.memory_space<vmem>>, vector<16xf32>,
      tpu.vector_store %arg10[%swap3A_68], %broadcast_in_dim3A_7 {strides = array<i32>} : memref<4160xf32, #tpu.memory_space<vmem>>, vector<16xf32>,
      %mul3A_70 = arith.constant 16 : i32
      %mul3A_71 = arith.muli %scan3A_58, %mul3A_70 : i32
      %swap3A_72 = arith.index_cast %mul3A_71 : i32 to index
      %swap3A_73 = tpu.vector_load %arg11[%swap3A_72] {strides = array<i32>} : memref<4160xf32, #tpu.memory_space<vmem>>, vector<16xf32>,
      tpu.vector_store %arg11[%swap3A_72], %broadcast_in_dim3A_7 {strides = array<i32>} : memref<4160xf32, #tpu.memory_space<vmem>>, vector<16xf32>,
    }
    %scan3A_11 = arith.constant 260 : i32
    %mul3A_12 = arith.constant 3136 : i32
    %mul3A_13 = arith.muli %arg1, %mul3A_12 : i32
    %mul3A_14 = arith.constant 8 : i32
    %mul3A_15 = arith.muli %mul3A_13, %mul3A_14 : i32
    "tpu.region"() ({
      %run_scoped3A = tpu.sem_alloc : memref<!tpu.dma_semaphore, #tpu.memory_space<semaphore_mem>>
      %dma_start3A = tpu.memref_slice %arg2[%mul3A_15] : memref<401408xf32, #tpu.memory_space<hbm>> -> memref<25088xf32, #tpu.memory_space<hbm>>
      %dma_start3A_58 = tpu.memref_slice %arg2[%mul3A_15] : memref<401408xf32, #tpu.memory_space<hbm>> -> memref<25088xf32, #tpu.memory_space<hbm>>
      tpu.enqueue_dma source(%dma_start3A_58 : memref<25088xf32, #tpu.memory_space<hbm>>) target(%arg5 : memref<25088xf32, #tpu.memory_space<vmem>>) target_semaphore(%run_scoped3A : memref<!tpu.dma_semaphore, #tpu.memory_space<semaphore_mem>>)
      %dma_wait3A = tpu.memref_slice %arg2[%mul3A_15] : memref<401408xf32, #tpu.memory_space<hbm>> -> memref<25088xf32, #tpu.memory_space<hbm>>
      %dma_wait3A_59 = tpu.memref_slice %arg2[%mul3A_15] : memref<401408xf32, #tpu.memory_space<hbm>> -> memref<25088xf32, #tpu.memory_space<hbm>>
      tpu.wait_dma2 semaphore(%run_scoped3A : memref<!tpu.dma_semaphore, #tpu.memory_space<semaphore_mem>>) src(%dma_wait3A_59 : memref<25088xf32, #tpu.memory_space<hbm>>) dst(%arg5 : memref<25088xf32, #tpu.memory_space<vmem>>)
      tpu.yield
    }) : () -> ()
    %mul3A_16 = arith.constant 3136 : i32
    %mul3A_17 = arith.muli %arg1, %mul3A_16 : i32
    "tpu.region"() ({
      %run_scoped3A = tpu.sem_alloc : memref<!tpu.dma_semaphore, #tpu.memory_space<semaphore_mem>>
      %dma_start3A = tpu.memref_slice %arg3[%mul3A_17] : memref<50176xi32, #tpu.memory_space<hbm>> -> memref<3136xi32, #tpu.memory_space<hbm>>
      %dma_start3A_58 = tpu.memref_slice %arg3[%mul3A_17] : memref<50176xi32, #tpu.memory_space<hbm>> -> memref<3136xi32, #tpu.memory_space<hbm>>
      tpu.enqueue_dma source(%dma_start3A_58 : memref<3136xi32, #tpu.memory_space<hbm>>) target(%arg6 : memref<3136xi32, #tpu.memory_space<vmem>>) target_semaphore(%run_scoped3A : memref<!tpu.dma_semaphore, #tpu.memory_space<semaphore_mem>>)
      %dma_wait3A = tpu.memref_slice %arg3[%mul3A_17] : memref<50176xi32, #tpu.memory_space<hbm>> -> memref<3136xi32, #tpu.memory_space<hbm>>
      %dma_wait3A_59 = tpu.memref_slice %arg3[%mul3A_17] : memref<50176xi32, #tpu.memory_space<hbm>> -> memref<3136xi32, #tpu.memory_space<hbm>>
      tpu.wait_dma2 semaphore(%run_scoped3A : memref<!tpu.dma_semaphore, #tpu.memory_space<semaphore_mem>>) src(%dma_wait3A_59 : memref<3136xi32, #tpu.memory_space<hbm>>) dst(%arg6 : memref<3136xi32, #tpu.memory_space<vmem>>)
      tpu.yield
    }) : () -> ()
    %scan3A_18 = arith.constant 0 : i32
    %scan3A_19 = arith.constant 392 : i32
    %scan3A_20 = arith.addi %scan3A_18, %scan3A_19 : i32
    %scan3A_21 = arith.constant 1 : i32
    scf.for %scan3A_58 = %scan3A_18 to %scan3A_20 step %scan3A_21  : i32 {
      %add3A_59 = arith.constant 0 : i32
      %add3A_60 = arith.addi %add3A_59, %scan3A_58 : i32
      %mul3A_61 = arith.constant 16 : i32
      %mul3A_62 = arith.muli %add3A_60, %mul3A_61 : i32
      %get3A = arith.index_cast %mul3A_62 : i32 to index
      %get3A_63 = tpu.vector_load %arg5[%get3A] {strides = array<i32>} : memref<25088xf32, #tpu.memory_space<vmem>>, vector<16xf32>,
      %mul3A_64 = arith.constant 2 : i32
      %mul3A_65 = arith.muli %mul3A_64, %add3A_60 : i32
      %add3A_66 = vector.broadcast %mul3A_65 : i32 to vector<16xi32>
      %add3A_67 = arith.addi %shift_right_logical3A_2, %add3A_66 : vector<16xi32>
      %gather3A = tpu.vector_load_idx %arg6[%add3A_67] : memref<3136xi32, #tpu.memory_space<vmem>>[vector<16xi32>], vector<16xi32>,
      %mul3A_68 = arith.constant 8 : i32
      %mul3A_69 = vector.broadcast %mul3A_68 : i32 to vector<16xi32>
      %mul3A_70 = arith.muli %gather3A, %mul3A_69 : vector<16xi32>
      %add3A_71 = arith.addi %mul3A_70, %and3A_4 : vector<16xi32>
      %swap3A = arith.index_cast %mul3A_62 : i32 to index
      %swap3A_72 = tpu.vector_load %arg7[%swap3A] {strides = array<i32>} : memref<25088xi32, #tpu.memory_space<vmem>>, vector<16xi32>,
      tpu.vector_store %arg7[%swap3A], %add3A_71 {strides = array<i32>} : memref<25088xi32, #tpu.memory_space<vmem>>, vector<16xi32>,
      %gather3A_73 = tpu.vector_load_idx %arg8[%add3A_71] : memref<4160xf32, #tpu.memory_space<vmem>>[vector<16xi32>], vector<16xf32>,
      %max3A = arith.maximumf %gather3A_73, %get3A_63 : vector<16xf32>
      %broadcast_in_dim3A_74 = vector.shape_cast %xor3A_6 : vector<16xi32> to vector<16x1xi32>
      %gather3A_75 = vector.shape_cast %broadcast_in_dim3A_74 : vector<16x1xi32> to vector<16xi32>
      %gather3A_76 = tpu.dynamic_gather %add3A_71[%gather3A_75] in [0] : vector<16xi32>, vector<16xi32> -> vector<16xi32>
      %broadcast_in_dim3A_77 = vector.shape_cast %xor3A_6 : vector<16xi32> to vector<16x1xi32>
      %gather3A_78 = vector.shape_cast %broadcast_in_dim3A_77 : vector<16x1xi32> to vector<16xi32>
      %gather3A_79 = tpu.dynamic_gather %max3A[%gather3A_78] in [0] : vector<16xf32>, vector<16xi32> -> vector<16xf32>
      %eq3A = arith.cmpi eq, %add3A_71, %gather3A_76 : vector<16xi32>
      %max3A_80 = arith.maximumf %max3A, %gather3A_79 : vector<16xf32>
      %select_n3A = arith.select %eq3A, %max3A_80, %max3A : vector<16xi1>, vector<16xf32>
      tpu.vector_store_idx %arg8[%add3A_71], %select_n3A : memref<4160xf32, #tpu.memory_space<vmem>>[vector<16xi32>], vector<16xf32>,
      %add3A_81 = arith.constant 392 : i32
      %add3A_82 = arith.addi %add3A_81, %scan3A_58 : i32
      %mul3A_83 = arith.constant 16 : i32
      %mul3A_84 = arith.muli %add3A_82, %mul3A_83 : i32
      %get3A_85 = arith.index_cast %mul3A_84 : i32 to index
      %get3A_86 = tpu.vector_load %arg5[%get3A_85] {strides = array<i32>} : memref<25088xf32, #tpu.memory_space<vmem>>, vector<16xf32>,
      %mul3A_87 = arith.constant 2 : i32
      %mul3A_88 = arith.muli %mul3A_87, %add3A_82 : i32
      %add3A_89 = vector.broadcast %mul3A_88 : i32 to vector<16xi32>
      %add3A_90 = arith.addi %shift_right_logical3A_2, %add3A_89 : vector<16xi32>
      %gather3A_91 = tpu.vector_load_idx %arg6[%add3A_90] : memref<3136xi32, #tpu.memory_space<vmem>>[vector<16xi32>], vector<16xi32>,
      %mul3A_92 = arith.constant 8 : i32
      %mul3A_93 = vector.broadcast %mul3A_92 : i32 to vector<16xi32>
      %mul3A_94 = arith.muli %gather3A_91, %mul3A_93 : vector<16xi32>
      %add3A_95 = arith.addi %mul3A_94, %and3A_4 : vector<16xi32>
      %swap3A_96 = arith.index_cast %mul3A_84 : i32 to index
      %swap3A_97 = tpu.vector_load %arg7[%swap3A_96] {strides = array<i32>} : memref<25088xi32, #tpu.memory_space<vmem>>, vector<16xi32>,
      tpu.vector_store %arg7[%swap3A_96], %add3A_95 {strides = array<i32>} : memref<25088xi32, #tpu.memory_space<vmem>>, vector<16xi32>,
      %gather3A_98 = tpu.vector_load_idx %arg9[%add3A_95] : memref<4160xf32, #tpu.memory_space<vmem>>[vector<16xi32>], vector<16xf32>,
      %max3A_99 = arith.maximumf %gather3A_98, %get3A_86 : vector<16xf32>
      %broadcast_in_dim3A_100 = vector.shape_cast %xor3A_6 : vector<16xi32> to vector<16x1xi32>
      %gather3A_101 = vector.shape_cast %broadcast_in_dim3A_100 : vector<16x1xi32> to vector<16xi32>
      %gather3A_102 = tpu.dynamic_gather %add3A_95[%gather3A_101] in [0] : vector<16xi32>, vector<16xi32> -> vector<16xi32>
      %broadcast_in_dim3A_103 = vector.shape_cast %xor3A_6 : vector<16xi32> to vector<16x1xi32>
      %gather3A_104 = vector.shape_cast %broadcast_in_dim3A_103 : vector<16x1xi32> to vector<16xi32>
      %gather3A_105 = tpu.dynamic_gather %max3A_99[%gather3A_104] in [0] : vector<16xf32>, vector<16xi32> -> vector<16xf32>
      %eq3A_106 = arith.cmpi eq, %add3A_95, %gather3A_102 : vector<16xi32>
      %max3A_107 = arith.maximumf %max3A_99, %gather3A_105 : vector<16xf32>
      %select_n3A_108 = arith.select %eq3A_106, %max3A_107, %max3A_99 : vector<16xi1>, vector<16xf32>
      tpu.vector_store_idx %arg9[%add3A_95], %select_n3A_108 : memref<4160xf32, #tpu.memory_space<vmem>>[vector<16xi32>], vector<16xf32>,
      %add3A_109 = arith.constant 784 : i32
      %add3A_110 = arith.addi %add3A_109, %scan3A_58 : i32
      %mul3A_111 = arith.constant 16 : i32
      %mul3A_112 = arith.muli %add3A_110, %mul3A_111 : i32
      %get3A_113 = arith.index_cast %mul3A_112 : i32 to index
      %get3A_114 = tpu.vector_load %arg5[%get3A_113] {strides = array<i32>} : memref<25088xf32, #tpu.memory_space<vmem>>, vector<16xf32>,
      %mul3A_115 = arith.constant 2 : i32
      %mul3A_116 = arith.muli %mul3A_115, %add3A_110 : i32
      %add3A_117 = vector.broadcast %mul3A_116 : i32 to vector<16xi32>
      %add3A_118 = arith.addi %shift_right_logical3A_2, %add3A_117 : vector<16xi32>
      %gather3A_119 = tpu.vector_load_idx %arg6[%add3A_118] : memref<3136xi32, #tpu.memory_space<vmem>>[vector<16xi32>], vector<16xi32>,
      %mul3A_120 = arith.constant 8 : i32
      %mul3A_121 = vector.broadcast %mul3A_120 : i32 to vector<16xi32>
      %mul3A_122 = arith.muli %gather3A_119, %mul3A_121 : vector<16xi32>
      %add3A_123 = arith.addi %mul3A_122, %and3A_4 : vector<16xi32>
      %swap3A_124 = arith.index_cast %mul3A_112 : i32 to index
      %swap3A_125 = tpu.vector_load %arg7[%swap3A_124] {strides = array<i32>} : memref<25088xi32, #tpu.memory_space<vmem>>, vector<16xi32>,
      tpu.vector_store %arg7[%swap3A_124], %add3A_123 {strides = array<i32>} : memref<25088xi32, #tpu.memory_space<vmem>>, vector<16xi32>,
      %gather3A_126 = tpu.vector_load_idx %arg10[%add3A_123] : memref<4160xf32, #tpu.memory_space<vmem>>[vector<16xi32>], vector<16xf32>,
      %max3A_127 = arith.maximumf %gather3A_126, %get3A_114 : vector<16xf32>
      %broadcast_in_dim3A_128 = vector.shape_cast %xor3A_6 : vector<16xi32> to vector<16x1xi32>
      %gather3A_129 = vector.shape_cast %broadcast_in_dim3A_128 : vector<16x1xi32> to vector<16xi32>
      %gather3A_130 = tpu.dynamic_gather %add3A_123[%gather3A_129] in [0] : vector<16xi32>, vector<16xi32> -> vector<16xi32>
      %broadcast_in_dim3A_131 = vector.shape_cast %xor3A_6 : vector<16xi32> to vector<16x1xi32>
      %gather3A_132 = vector.shape_cast %broadcast_in_dim3A_131 : vector<16x1xi32> to vector<16xi32>
      %gather3A_133 = tpu.dynamic_gather %max3A_127[%gather3A_132] in [0] : vector<16xf32>, vector<16xi32> -> vector<16xf32>
      %eq3A_134 = arith.cmpi eq, %add3A_123, %gather3A_130 : vector<16xi32>
      %max3A_135 = arith.maximumf %max3A_127, %gather3A_133 : vector<16xf32>
      %select_n3A_136 = arith.select %eq3A_134, %max3A_135, %max3A_127 : vector<16xi1>, vector<16xf32>
      tpu.vector_store_idx %arg10[%add3A_123], %select_n3A_136 : memref<4160xf32, #tpu.memory_space<vmem>>[vector<16xi32>], vector<16xf32>,
      %add3A_137 = arith.constant 1176 : i32
      %add3A_138 = arith.addi %add3A_137, %scan3A_58 : i32
      %mul3A_139 = arith.constant 16 : i32
      %mul3A_140 = arith.muli %add3A_138, %mul3A_139 : i32
      %get3A_141 = arith.index_cast %mul3A_140 : i32 to index
      %get3A_142 = tpu.vector_load %arg5[%get3A_141] {strides = array<i32>} : memref<25088xf32, #tpu.memory_space<vmem>>, vector<16xf32>,
      %mul3A_143 = arith.constant 2 : i32
      %mul3A_144 = arith.muli %mul3A_143, %add3A_138 : i32
      %add3A_145 = vector.broadcast %mul3A_144 : i32 to vector<16xi32>
      %add3A_146 = arith.addi %shift_right_logical3A_2, %add3A_145 : vector<16xi32>
      %gather3A_147 = tpu.vector_load_idx %arg6[%add3A_146] : memref<3136xi32, #tpu.memory_space<vmem>>[vector<16xi32>], vector<16xi32>,
      %mul3A_148 = arith.constant 8 : i32
      %mul3A_149 = vector.broadcast %mul3A_148 : i32 to vector<16xi32>
      %mul3A_150 = arith.muli %gather3A_147, %mul3A_149 : vector<16xi32>
      %add3A_151 = arith.addi %mul3A_150, %and3A_4 : vector<16xi32>
      %swap3A_152 = arith.index_cast %mul3A_140 : i32 to index
      %swap3A_153 = tpu.vector_load %arg7[%swap3A_152] {strides = array<i32>} : memref<25088xi32, #tpu.memory_space<vmem>>, vector<16xi32>,
      tpu.vector_store %arg7[%swap3A_152], %add3A_151 {strides = array<i32>} : memref<25088xi32, #tpu.memory_space<vmem>>, vector<16xi32>,
      %gather3A_154 = tpu.vector_load_idx %arg11[%add3A_151] : memref<4160xf32, #tpu.memory_space<vmem>>[vector<16xi32>], vector<16xf32>,
      %max3A_155 = arith.maximumf %gather3A_154, %get3A_142 : vector<16xf32>
      %broadcast_in_dim3A_156 = vector.shape_cast %xor3A_6 : vector<16xi32> to vector<16x1xi32>
      %gather3A_157 = vector.shape_cast %broadcast_in_dim3A_156 : vector<16x1xi32> to vector<16xi32>
      %gather3A_158 = tpu.dynamic_gather %add3A_151[%gather3A_157] in [0] : vector<16xi32>, vector<16xi32> -> vector<16xi32>
      %broadcast_in_dim3A_159 = vector.shape_cast %xor3A_6 : vector<16xi32> to vector<16x1xi32>
      %gather3A_160 = vector.shape_cast %broadcast_in_dim3A_159 : vector<16x1xi32> to vector<16xi32>
      %gather3A_161 = tpu.dynamic_gather %max3A_155[%gather3A_160] in [0] : vector<16xf32>, vector<16xi32> -> vector<16xf32>
      %eq3A_162 = arith.cmpi eq, %add3A_151, %gather3A_158 : vector<16xi32>
      %max3A_163 = arith.maximumf %max3A_155, %gather3A_161 : vector<16xf32>
      %select_n3A_164 = arith.select %eq3A_162, %max3A_163, %max3A_155 : vector<16xi1>, vector<16xf32>
      tpu.vector_store_idx %arg11[%add3A_151], %select_n3A_164 : memref<4160xf32, #tpu.memory_space<vmem>>[vector<16xi32>], vector<16xf32>,
    }
    %scan3A_22 = arith.constant 392 : i32
    %scan3A_23 = arith.constant 0 : i32
    %scan3A_24 = arith.constant 260 : i32
    %scan3A_25 = arith.addi %scan3A_23, %scan3A_24 : i32
    %scan3A_26 = arith.constant 1 : i32
    scf.for %scan3A_58 = %scan3A_23 to %scan3A_25 step %scan3A_26  : i32 {
      %mul3A_59 = arith.constant 16 : i32
      %mul3A_60 = arith.muli %scan3A_58, %mul3A_59 : i32
      %get3A = arith.index_cast %mul3A_60 : i32 to index
      %get3A_61 = tpu.vector_load %arg8[%get3A] {strides = array<i32>} : memref<4160xf32, #tpu.memory_space<vmem>>, vector<16xf32>,
      %mul3A_62 = arith.constant 16 : i32
      %mul3A_63 = arith.muli %scan3A_58, %mul3A_62 : i32
      %get3A_64 = arith.index_cast %mul3A_63 : i32 to index
      %get3A_65 = tpu.vector_load %arg9[%get3A_64] {strides = array<i32>} : memref<4160xf32, #tpu.memory_space<vmem>>, vector<16xf32>,
      %max3A = arith.maximumf %get3A_61, %get3A_65 : vector<16xf32>
      %mul3A_66 = arith.constant 16 : i32
      %mul3A_67 = arith.muli %scan3A_58, %mul3A_66 : i32
      %get3A_68 = arith.index_cast %mul3A_67 : i32 to index
      %get3A_69 = tpu.vector_load %arg10[%get3A_68] {strides = array<i32>} : memref<4160xf32, #tpu.memory_space<vmem>>, vector<16xf32>,
      %mul3A_70 = arith.constant 16 : i32
      %mul3A_71 = arith.muli %scan3A_58, %mul3A_70 : i32
      %get3A_72 = arith.index_cast %mul3A_71 : i32 to index
      %get3A_73 = tpu.vector_load %arg11[%get3A_72] {strides = array<i32>} : memref<4160xf32, #tpu.memory_space<vmem>>, vector<16xf32>,
      %max3A_74 = arith.maximumf %get3A_69, %get3A_73 : vector<16xf32>
      %max3A_75 = arith.maximumf %max3A, %max3A_74 : vector<16xf32>
      %mul3A_76 = arith.constant 16 : i32
      %mul3A_77 = arith.muli %scan3A_58, %mul3A_76 : i32
      %swap3A = arith.index_cast %mul3A_77 : i32 to index
      %swap3A_78 = tpu.vector_load %arg8[%swap3A] {strides = array<i32>} : memref<4160xf32, #tpu.memory_space<vmem>>, vector<16xf32>,
      tpu.vector_store %arg8[%swap3A], %max3A_75 {strides = array<i32>} : memref<4160xf32, #tpu.memory_space<vmem>>, vector<16xf32>,
    }
    %scan3A_27 = arith.constant 260 : i32
    "tpu.region"() ({
      %run_scoped3A = tpu.sem_alloc : memref<!tpu.dma_semaphore, #tpu.memory_space<semaphore_mem>>
      %dma_start3A = arith.constant 0 : i32
      %dma_start3A_58 = tpu.memref_slice %arg15[%arg1, %dma_start3A] : memref<16x4160xf32, #tpu.memory_space<vmem_shared>> -> memref<1x4160xf32, #tpu.memory_space<vmem_shared>>
      %dma_start3A_59 = tpu.memref_squeeze %dma_start3A_58 : memref<1x4160xf32, #tpu.memory_space<vmem_shared>> -> memref<4160xf32, #tpu.memory_space<vmem_shared>>
      %dma_start3A_60 = arith.constant 0 : i32
      %dma_start3A_61 = tpu.memref_slice %arg15[%arg1, %dma_start3A_60] : memref<16x4160xf32, #tpu.memory_space<vmem_shared>> -> memref<1x4160xf32, #tpu.memory_space<vmem_shared>>
      %dma_start3A_62 = tpu.memref_squeeze %dma_start3A_61 : memref<1x4160xf32, #tpu.memory_space<vmem_shared>> -> memref<4160xf32, #tpu.memory_space<vmem_shared>>
      tpu.enqueue_dma source(%arg8 : memref<4160xf32, #tpu.memory_space<vmem>>) target(%dma_start3A_62 : memref<4160xf32, #tpu.memory_space<vmem_shared>>) target_semaphore(%run_scoped3A : memref<!tpu.dma_semaphore, #tpu.memory_space<semaphore_mem>>)
      %dma_wait3A = arith.constant 0 : i32
      %dma_wait3A_63 = tpu.memref_slice %arg15[%arg1, %dma_wait3A] : memref<16x4160xf32, #tpu.memory_space<vmem_shared>> -> memref<1x4160xf32, #tpu.memory_space<vmem_shared>>
      %dma_wait3A_64 = tpu.memref_squeeze %dma_wait3A_63 : memref<1x4160xf32, #tpu.memory_space<vmem_shared>> -> memref<4160xf32, #tpu.memory_space<vmem_shared>>
      %dma_wait3A_65 = arith.constant 0 : i32
      %dma_wait3A_66 = tpu.memref_slice %arg15[%arg1, %dma_wait3A_65] : memref<16x4160xf32, #tpu.memory_space<vmem_shared>> -> memref<1x4160xf32, #tpu.memory_space<vmem_shared>>
      %dma_wait3A_67 = tpu.memref_squeeze %dma_wait3A_66 : memref<1x4160xf32, #tpu.memory_space<vmem_shared>> -> memref<4160xf32, #tpu.memory_space<vmem_shared>>
      tpu.wait_dma2 semaphore(%run_scoped3A : memref<!tpu.dma_semaphore, #tpu.memory_space<semaphore_mem>>) src(%arg8 : memref<4160xf32, #tpu.memory_space<vmem>>) dst(%dma_wait3A_67 : memref<4160xf32, #tpu.memory_space<vmem_shared>>)
      tpu.yield
    }) : () -> ()
    %barrier3A = arith.constant 0 : index
    tpu.barrier barrier_id(%barrier3A)
    %mul3A_28 = arith.constant 256 : i32
    %mul3A_29 = arith.muli %arg1, %mul3A_28 : i32
    "tpu.region"() ({
      %run_scoped3A = tpu.sem_alloc : memref<!tpu.dma_semaphore, #tpu.memory_space<semaphore_mem>>
      %dma_start3A = arith.constant 0 : i32
      %dma_start3A_58 = tpu.memref_slice %arg15[%dma_start3A, %mul3A_29] : memref<16x4160xf32, #tpu.memory_space<vmem_shared>> -> memref<16x256xf32, #tpu.memory_space<vmem_shared>>
      %dma_start3A_59 = arith.constant 0 : i32
      %dma_start3A_60 = tpu.memref_slice %arg15[%dma_start3A_59, %mul3A_29] : memref<16x4160xf32, #tpu.memory_space<vmem_shared>> -> memref<16x256xf32, #tpu.memory_space<vmem_shared>>
      tpu.enqueue_dma source(%dma_start3A_60 : memref<16x256xf32, #tpu.memory_space<vmem_shared>>) target(%arg12 : memref<16x256xf32, #tpu.memory_space<vmem>>) target_semaphore(%run_scoped3A : memref<!tpu.dma_semaphore, #tpu.memory_space<semaphore_mem>>)
      %dma_wait3A = arith.constant 0 : i32
      %dma_wait3A_61 = tpu.memref_slice %arg15[%dma_wait3A, %mul3A_29] : memref<16x4160xf32, #tpu.memory_space<vmem_shared>> -> memref<16x256xf32, #tpu.memory_space<vmem_shared>>
      %dma_wait3A_62 = arith.constant 0 : i32
      %dma_wait3A_63 = tpu.memref_slice %arg15[%dma_wait3A_62, %mul3A_29] : memref<16x4160xf32, #tpu.memory_space<vmem_shared>> -> memref<16x256xf32, #tpu.memory_space<vmem_shared>>
      tpu.wait_dma2 semaphore(%run_scoped3A : memref<!tpu.dma_semaphore, #tpu.memory_space<semaphore_mem>>) src(%dma_wait3A_63 : memref<16x256xf32, #tpu.memory_space<vmem_shared>>) dst(%arg12 : memref<16x256xf32, #tpu.memory_space<vmem>>)
      tpu.yield
    }) : () -> ()
    %scan3A_30 = arith.constant 0 : i32
    %scan3A_31 = arith.constant 16 : i32
    %scan3A_32 = arith.addi %scan3A_30, %scan3A_31 : i32
    %scan3A_33 = arith.constant 1 : i32
    scf.for %scan3A_58 = %scan3A_30 to %scan3A_32 step %scan3A_33  : i32 {
      %mul3A_59 = arith.constant 16 : i32
      %mul3A_60 = arith.muli %scan3A_58, %mul3A_59 : i32
      %get3A = arith.constant 0 : i32
      %get3A_61 = arith.index_cast %get3A : i32 to index
      %get3A_62 = arith.index_cast %mul3A_60 : i32 to index
      %get3A_63 = tpu.vector_load %arg12[%get3A_61, %get3A_62] {strides = array<i32>} : memref<16x256xf32, #tpu.memory_space<vmem>>, vector<16xf32>,
      %scan3A_64 = arith.constant 1 : i32
      %scan3A_65 = arith.constant 15 : i32
      %scan3A_66 = arith.addi %scan3A_64, %scan3A_65 : i32
      %scan3A_67 = arith.constant 1 : i32
      %scan3A_68 = scf.for %scan3A_73 = %scan3A_64 to %scan3A_66 step %scan3A_67 iter_args(%scan3A_74 = %get3A_63) -> (vector<16xf32>)  : i32 {
        %mul3A_75 = arith.constant 16 : i32
        %mul3A_76 = arith.muli %scan3A_58, %mul3A_75 : i32
        %get3A_77 = arith.index_cast %scan3A_73 : i32 to index
        %get3A_78 = arith.index_cast %mul3A_76 : i32 to index
        %get3A_79 = tpu.vector_load %arg12[%get3A_77, %get3A_78] {strides = array<i32>} : memref<16x256xf32, #tpu.memory_space<vmem>>, vector<16xf32>,
        %max3A = arith.maximumf %scan3A_74, %get3A_79 : vector<16xf32>
        scf.yield %max3A : vector<16xf32>
      }
      %scan3A_69 = arith.constant 15 : i32
      %mul3A_70 = arith.constant 16 : i32
      %mul3A_71 = arith.muli %scan3A_58, %mul3A_70 : i32
      %swap3A = arith.index_cast %mul3A_71 : i32 to index
      %swap3A_72 = tpu.vector_load %arg13[%swap3A] {strides = array<i32>} : memref<4160xf32, #tpu.memory_space<vmem>>, vector<16xf32>,
      tpu.vector_store %arg13[%swap3A], %scan3A_68 {strides = array<i32>} : memref<4160xf32, #tpu.memory_space<vmem>>, vector<16xf32>,
    }
    %scan3A_34 = arith.constant 16 : i32
    %mul3A_35 = arith.constant 256 : i32
    %mul3A_36 = arith.muli %arg1, %mul3A_35 : i32
    "tpu.region"() ({
      %run_scoped3A = tpu.sem_alloc : memref<!tpu.dma_semaphore, #tpu.memory_space<semaphore_mem>>
      %dma_start3A = arith.constant 0 : i32
      %dma_start3A_58 = tpu.memref_slice %arg13[%dma_start3A] : memref<4160xf32, #tpu.memory_space<vmem>> -> memref<256xf32, #tpu.memory_space<vmem>>
      %dma_start3A_59 = tpu.memref_slice %arg16[%mul3A_36] : memref<4096xf32, #tpu.memory_space<vmem_shared>> -> memref<256xf32, #tpu.memory_space<vmem_shared>>
      %dma_start3A_60 = tpu.memref_slice %arg16[%mul3A_36] : memref<4096xf32, #tpu.memory_space<vmem_shared>> -> memref<256xf32, #tpu.memory_space<vmem_shared>>
      %dma_start3A_61 = arith.constant 0 : i32
      %dma_start3A_62 = tpu.memref_slice %arg13[%dma_start3A_61] : memref<4160xf32, #tpu.memory_space<vmem>> -> memref<256xf32, #tpu.memory_space<vmem>>
      tpu.enqueue_dma source(%dma_start3A_62 : memref<256xf32, #tpu.memory_space<vmem>>) target(%dma_start3A_60 : memref<256xf32, #tpu.memory_space<vmem_shared>>) target_semaphore(%run_scoped3A : memref<!tpu.dma_semaphore, #tpu.memory_space<semaphore_mem>>)
      %dma_wait3A = arith.constant 0 : i32
      %dma_wait3A_63 = tpu.memref_slice %arg13[%dma_wait3A] : memref<4160xf32, #tpu.memory_space<vmem>> -> memref<256xf32, #tpu.memory_space<vmem>>
      %dma_wait3A_64 = tpu.memref_slice %arg16[%mul3A_36] : memref<4096xf32, #tpu.memory_space<vmem_shared>> -> memref<256xf32, #tpu.memory_space<vmem_shared>>
      %dma_wait3A_65 = tpu.memref_slice %arg16[%mul3A_36] : memref<4096xf32, #tpu.memory_space<vmem_shared>> -> memref<256xf32, #tpu.memory_space<vmem_shared>>
      %dma_wait3A_66 = arith.constant 0 : i32
      %dma_wait3A_67 = tpu.memref_slice %arg13[%dma_wait3A_66] : memref<4160xf32, #tpu.memory_space<vmem>> -> memref<256xf32, #tpu.memory_space<vmem>>
      tpu.wait_dma2 semaphore(%run_scoped3A : memref<!tpu.dma_semaphore, #tpu.memory_space<semaphore_mem>>) src(%dma_wait3A_67 : memref<256xf32, #tpu.memory_space<vmem>>) dst(%dma_wait3A_65 : memref<256xf32, #tpu.memory_space<vmem_shared>>)
      tpu.yield
    }) : () -> ()
    %barrier3A_37 = arith.constant 0 : index
    tpu.barrier barrier_id(%barrier3A_37)
    "tpu.region"() ({
      %run_scoped3A = tpu.sem_alloc : memref<!tpu.dma_semaphore, #tpu.memory_space<semaphore_mem>>
      %dma_start3A = arith.constant 0 : i32
      %dma_start3A_58 = tpu.memref_slice %arg13[%dma_start3A] : memref<4160xf32, #tpu.memory_space<vmem>> -> memref<4096xf32, #tpu.memory_space<vmem>>
      %dma_start3A_59 = arith.constant 0 : i32
      %dma_start3A_60 = tpu.memref_slice %arg13[%dma_start3A_59] : memref<4160xf32, #tpu.memory_space<vmem>> -> memref<4096xf32, #tpu.memory_space<vmem>>
      tpu.enqueue_dma source(%arg16 : memref<4096xf32, #tpu.memory_space<vmem_shared>>) target(%dma_start3A_60 : memref<4096xf32, #tpu.memory_space<vmem>>) target_semaphore(%run_scoped3A : memref<!tpu.dma_semaphore, #tpu.memory_space<semaphore_mem>>)
      %dma_wait3A = arith.constant 0 : i32
      %dma_wait3A_61 = tpu.memref_slice %arg13[%dma_wait3A] : memref<4160xf32, #tpu.memory_space<vmem>> -> memref<4096xf32, #tpu.memory_space<vmem>>
      %dma_wait3A_62 = arith.constant 0 : i32
      %dma_wait3A_63 = tpu.memref_slice %arg13[%dma_wait3A_62] : memref<4160xf32, #tpu.memory_space<vmem>> -> memref<4096xf32, #tpu.memory_space<vmem>>
      tpu.wait_dma2 semaphore(%run_scoped3A : memref<!tpu.dma_semaphore, #tpu.memory_space<semaphore_mem>>) src(%arg16 : memref<4096xf32, #tpu.memory_space<vmem_shared>>) dst(%dma_wait3A_63 : memref<4096xf32, #tpu.memory_space<vmem>>)
      tpu.yield
    }) : () -> ()
    %broadcast_in_dim3A_38 = arith.constant 0.000000e+00 : f32
    %broadcast_in_dim3A_39 = vector.broadcast %broadcast_in_dim3A_38 : f32 to vector<16xf32>
    %scan3A_40 = arith.constant 0 : i32
    %scan3A_41 = arith.constant 4 : i32
    %scan3A_42 = arith.addi %scan3A_40, %scan3A_41 : i32
    %scan3A_43 = arith.constant 1 : i32
    scf.for %scan3A_58 = %scan3A_40 to %scan3A_42 step %scan3A_43  : i32 {
      %mul3A_59 = arith.constant 16 : i32
      %mul3A_60 = arith.muli %scan3A_58, %mul3A_59 : i32
      %add3A_61 = arith.constant 4096 : i32
      %add3A_62 = arith.addi %add3A_61, %mul3A_60 : i32
      %swap3A = arith.index_cast %add3A_62 : i32 to index
      %swap3A_63 = tpu.vector_load %arg13[%swap3A] {strides = array<i32>} : memref<4160xf32, #tpu.memory_space<vmem>>, vector<16xf32>,
      tpu.vector_store %arg13[%swap3A], %broadcast_in_dim3A_39 {strides = array<i32>} : memref<4160xf32, #tpu.memory_space<vmem>>, vector<16xf32>,
    }
    %scan3A_44 = arith.constant 4 : i32
    %mul3A_45 = arith.constant 1568 : i32
    %mul3A_46 = arith.muli %arg0, %mul3A_45 : i32
    %mul3A_47 = arith.constant 8 : i32
    %mul3A_48 = arith.muli %mul3A_46, %mul3A_47 : i32
    %scan3A_49 = arith.constant 0 : i32
    %scan3A_50 = arith.constant 196 : i32
    %scan3A_51 = arith.addi %scan3A_49, %scan3A_50 : i32
    %scan3A_52 = arith.constant 1 : i32
    scf.for %scan3A_58 = %scan3A_49 to %scan3A_51 step %scan3A_52  : i32 {
      %add3A_59 = arith.constant 0 : i32
      %add3A_60 = arith.addi %add3A_59, %scan3A_58 : i32
      %mul3A_61 = arith.constant 16 : i32
      %mul3A_62 = arith.muli %add3A_60, %mul3A_61 : i32
      %add3A_63 = arith.addi %mul3A_48, %mul3A_62 : i32
      %get3A = arith.index_cast %add3A_63 : i32 to index
      %get3A_64 = tpu.vector_load %arg7[%get3A] {strides = array<i32>} : memref<25088xi32, #tpu.memory_space<vmem>>, vector<16xi32>,
      %gather3A = tpu.vector_load_idx %arg13[%get3A_64] : memref<4160xf32, #tpu.memory_space<vmem>>[vector<16xi32>], vector<16xf32>,
      %swap3A = arith.index_cast %mul3A_62 : i32 to index
      %swap3A_65 = tpu.vector_load %arg14[%swap3A] {strides = array<i32>} : memref<12544xf32, #tpu.memory_space<vmem>>, vector<16xf32>,
      tpu.vector_store %arg14[%swap3A], %gather3A {strides = array<i32>} : memref<12544xf32, #tpu.memory_space<vmem>>, vector<16xf32>,
      %add3A_66 = arith.constant 196 : i32
      %add3A_67 = arith.addi %add3A_66, %scan3A_58 : i32
      %mul3A_68 = arith.constant 16 : i32
      %mul3A_69 = arith.muli %add3A_67, %mul3A_68 : i32
      %add3A_70 = arith.addi %mul3A_48, %mul3A_69 : i32
      %get3A_71 = arith.index_cast %add3A_70 : i32 to index
      %get3A_72 = tpu.vector_load %arg7[%get3A_71] {strides = array<i32>} : memref<25088xi32, #tpu.memory_space<vmem>>, vector<16xi32>,
      %gather3A_73 = tpu.vector_load_idx %arg13[%get3A_72] : memref<4160xf32, #tpu.memory_space<vmem>>[vector<16xi32>], vector<16xf32>,
      %swap3A_74 = arith.index_cast %mul3A_69 : i32 to index
      %swap3A_75 = tpu.vector_load %arg14[%swap3A_74] {strides = array<i32>} : memref<12544xf32, #tpu.memory_space<vmem>>, vector<16xf32>,
      tpu.vector_store %arg14[%swap3A_74], %gather3A_73 {strides = array<i32>} : memref<12544xf32, #tpu.memory_space<vmem>>, vector<16xf32>,
      %add3A_76 = arith.constant 392 : i32
      %add3A_77 = arith.addi %add3A_76, %scan3A_58 : i32
      %mul3A_78 = arith.constant 16 : i32
      %mul3A_79 = arith.muli %add3A_77, %mul3A_78 : i32
      %add3A_80 = arith.addi %mul3A_48, %mul3A_79 : i32
      %get3A_81 = arith.index_cast %add3A_80 : i32 to index
      %get3A_82 = tpu.vector_load %arg7[%get3A_81] {strides = array<i32>} : memref<25088xi32, #tpu.memory_space<vmem>>, vector<16xi32>,
      %gather3A_83 = tpu.vector_load_idx %arg13[%get3A_82] : memref<4160xf32, #tpu.memory_space<vmem>>[vector<16xi32>], vector<16xf32>,
      %swap3A_84 = arith.index_cast %mul3A_79 : i32 to index
      %swap3A_85 = tpu.vector_load %arg14[%swap3A_84] {strides = array<i32>} : memref<12544xf32, #tpu.memory_space<vmem>>, vector<16xf32>,
      tpu.vector_store %arg14[%swap3A_84], %gather3A_83 {strides = array<i32>} : memref<12544xf32, #tpu.memory_space<vmem>>, vector<16xf32>,
      %add3A_86 = arith.constant 588 : i32
      %add3A_87 = arith.addi %add3A_86, %scan3A_58 : i32
      %mul3A_88 = arith.constant 16 : i32
      %mul3A_89 = arith.muli %add3A_87, %mul3A_88 : i32
      %add3A_90 = arith.addi %mul3A_48, %mul3A_89 : i32
      %get3A_91 = arith.index_cast %add3A_90 : i32 to index
      %get3A_92 = tpu.vector_load %arg7[%get3A_91] {strides = array<i32>} : memref<25088xi32, #tpu.memory_space<vmem>>, vector<16xi32>,
      %gather3A_93 = tpu.vector_load_idx %arg13[%get3A_92] : memref<4160xf32, #tpu.memory_space<vmem>>[vector<16xi32>], vector<16xf32>,
      %swap3A_94 = arith.index_cast %mul3A_89 : i32 to index
      %swap3A_95 = tpu.vector_load %arg14[%swap3A_94] {strides = array<i32>} : memref<12544xf32, #tpu.memory_space<vmem>>, vector<16xf32>,
      tpu.vector_store %arg14[%swap3A_94], %gather3A_93 {strides = array<i32>} : memref<12544xf32, #tpu.memory_space<vmem>>, vector<16xf32>,
    }
    %scan3A_53 = arith.constant 196 : i32
    %mul3A_54 = arith.constant 1568 : i32
    %mul3A_55 = arith.muli %add3A, %mul3A_54 : i32
    %mul3A_56 = arith.constant 8 : i32
    %mul3A_57 = arith.muli %mul3A_55, %mul3A_56 : i32
    "tpu.region"() ({
      %run_scoped3A = tpu.sem_alloc : memref<!tpu.dma_semaphore, #tpu.memory_space<semaphore_mem>>
      %dma_start3A = tpu.memref_slice %arg4[%mul3A_57] : memref<401408xf32, #tpu.memory_space<hbm>> -> memref<12544xf32, #tpu.memory_space<hbm>>
      %dma_start3A_58 = tpu.memref_slice %arg4[%mul3A_57] : memref<401408xf32, #tpu.memory_space<hbm>> -> memref<12544xf32, #tpu.memory_space<hbm>>
      tpu.enqueue_dma source(%arg14 : memref<12544xf32, #tpu.memory_space<vmem>>) target(%dma_start3A_58 : memref<12544xf32, #tpu.memory_space<hbm>>) target_semaphore(%run_scoped3A : memref<!tpu.dma_semaphore, #tpu.memory_space<semaphore_mem>>)
      %dma_wait3A = tpu.memref_slice %arg4[%mul3A_57] : memref<401408xf32, #tpu.memory_space<hbm>> -> memref<12544xf32, #tpu.memory_space<hbm>>
      %dma_wait3A_59 = tpu.memref_slice %arg4[%mul3A_57] : memref<401408xf32, #tpu.memory_space<hbm>> -> memref<12544xf32, #tpu.memory_space<hbm>>
      tpu.wait_dma2 semaphore(%run_scoped3A : memref<!tpu.dma_semaphore, #tpu.memory_space<semaphore_mem>>) src(%arg14 : memref<12544xf32, #tpu.memory_space<vmem>>) dst(%dma_wait3A_59 : memref<12544xf32, #tpu.memory_space<hbm>>)
      tpu.yield
    }) : () -> ()
    return
  }
}

module attributes {stable_mosaic.version = 14 : i64} {
  func.func @_fv_body(%arg0: i32, %arg1: memref<512x256xf32, #tpu.memory_space<vmem>>, %arg2: memref<256x8xf32, #tpu.memory_space<vmem>>, %arg3: memref<1x8xf32, #tpu.memory_space<vmem>>, %arg4: memref<512x8xf32, #tpu.memory_space<vmem>>) attributes {dimension_semantics = [#tpu.dimension_semantics<arbitrary>], iteration_bounds = array<i64: 98>, scalar_prefetch = 0 : i64, scratch_operands = 0 : i64, tpu.core_type = #tpu.core_type<tc>, window_params = [{transform_indices = @transform_0, window_bounds = array<i64: 512, 256>}, {pipeline_mode = #tpu.pipeline_mode<synchronous>, transform_indices = @transform_1, window_bounds = array<i64: 256, 8>}, {pipeline_mode = #tpu.pipeline_mode<synchronous>, transform_indices = @transform_2, window_bounds = array<i64: 1, 8>}, {transform_indices = @transform_3, window_bounds = array<i64: 512, 8>}]} {
    %get3A = arith.constant 0 : index
    %get3A_0 = arith.constant 0 : index
    %get3A_1 = vector.load %arg1[%get3A, %get3A_0] : memref<512x256xf32, #tpu.memory_space<vmem>>, vector<512x256xf32>
    %get3A_2 = arith.constant 0 : index
    %get3A_3 = arith.constant 0 : index
    %get3A_4 = vector.load %arg2[%get3A_2, %get3A_3] : memref<256x8xf32, #tpu.memory_space<vmem>>, vector<256x8xf32>
    %dot_general3A = arith.constant dense<0.000000e+00> : vector<512x8xf32>
    %dot_general3A_5 = tpu.matmul %get3A_1, %get3A_4, %dot_general3A {dimension_numbers = #tpu.dot_dimension_numbers<[1], [0], [0], [1], [0, 0, 1, 1], [], []>, transpose_lhs_hint = false} : vector<512x256xf32>, vector<256x8xf32>, vector<512x8xf32> -> vector<512x8xf32>
    %get3A_6 = arith.constant 0 : index
    %get3A_7 = arith.constant 0 : index
    %get3A_8 = vector.load %arg3[%get3A_6, %get3A_7] : memref<1x8xf32, #tpu.memory_space<vmem>>, vector<1x8xf32>
    %add3A = vector.broadcast %get3A_8 : vector<1x8xf32> to vector<512x8xf32>
    %add3A_9 = arith.addf %dot_general3A_5, %add3A : vector<512x8xf32>
    %swap3A = arith.constant 0 : index
    %swap3A_10 = arith.constant 0 : index
    %swap3A_11 = vector.load %arg4[%swap3A, %swap3A_10] : memref<512x8xf32, #tpu.memory_space<vmem>>, vector<512x8xf32>
    tpu.vector_store %arg4[%swap3A, %swap3A_10], %add3A_9 {strides = array<i32>} : memref<512x8xf32, #tpu.memory_space<vmem>>, vector<512x8xf32>,
    return
  }
  func.func @transform_0(%arg0: i32) -> (i32, i32) {
    %c0_i32 = arith.constant 0 : i32
    %c0_i32_0 = arith.constant 0 : i32
    return %arg0, %c0_i32 : i32, i32
  }
  func.func @transform_1(%arg0: i32) -> (i32, i32) {
    %c0_i32 = arith.constant 0 : i32
    %c0_i32_0 = arith.constant 0 : i32
    %c0_i32_1 = arith.constant 0 : i32
    return %c0_i32, %c0_i32_0 : i32, i32
  }
  func.func @transform_2(%arg0: i32) -> (i32, i32) {
    %c0_i32 = arith.constant 0 : i32
    %c0_i32_0 = arith.constant 0 : i32
    %c0_i32_1 = arith.constant 0 : i32
    return %c0_i32, %c0_i32_0 : i32, i32
  }
  func.func @transform_3(%arg0: i32) -> (i32, i32) {
    %c0_i32 = arith.constant 0 : i32
    %c0_i32_0 = arith.constant 0 : i32
    return %arg0, %c0_i32 : i32, i32
  }
}

module attributes {stable_mosaic.version = 14 : i64} {
  func.func @_out_body(%arg0: i32, %arg1: memref<512x256xf32, #tpu.memory_space<vmem>>, %arg2: memref<512x8xf32, #tpu.memory_space<vmem>>, %arg3: memref<512x8xf32, #tpu.memory_space<vmem>>, %arg4: memref<8x96xf32, #tpu.memory_space<vmem>>, %arg5: memref<16x96xf32, #tpu.memory_space<vmem>>, %arg6: memref<256x256xf32, #tpu.memory_space<vmem>>, %arg7: memref<96x256xf32, #tpu.memory_space<vmem>>, %arg8: memref<1x256xf32, #tpu.memory_space<vmem>>, %arg9: memref<1xf32, #tpu.memory_space<smem>>, %arg10: memref<512x256xf32, #tpu.memory_space<vmem>>) attributes {dimension_semantics = [#tpu.dimension_semantics<arbitrary>], iteration_bounds = array<i64: 98>, scalar_prefetch = 0 : i64, scratch_operands = 0 : i64, tpu.core_type = #tpu.core_type<tc>, window_params = [{transform_indices = @transform_0, window_bounds = array<i64: 512, 256>}, {transform_indices = @transform_1, window_bounds = array<i64: 512, 8>}, {transform_indices = @transform_2, window_bounds = array<i64: 512, 8>}, {pipeline_mode = #tpu.pipeline_mode<synchronous>, transform_indices = @transform_3, window_bounds = array<i64: 8, 96>}, {pipeline_mode = #tpu.pipeline_mode<synchronous>, transform_indices = @transform_4, window_bounds = array<i64: 16, 96>}, {pipeline_mode = #tpu.pipeline_mode<synchronous>, transform_indices = @transform_5, window_bounds = array<i64: 256, 256>}, {pipeline_mode = #tpu.pipeline_mode<synchronous>, transform_indices = @transform_6, window_bounds = array<i64: 96, 256>}, {pipeline_mode = #tpu.pipeline_mode<synchronous>, transform_indices = @transform_7, window_bounds = array<i64: 1, 256>}, {transform_indices = @transform_8, window_bounds = array<i64: 1>}, {transform_indices = @transform_9, window_bounds = array<i64: 512, 256>}]} {
    %get3A = arith.constant 0 : index
    %get3A_0 = arith.constant 0 : index
    %get3A_1 = vector.load %arg4[%get3A, %get3A_0] : memref<8x96xf32, #tpu.memory_space<vmem>>, vector<8x96xf32>
    %get3A_2 = arith.constant 0 : index
    %get3A_3 = arith.constant 0 : index
    %get3A_4 = vector.load %arg2[%get3A_2, %get3A_3] : memref<512x8xf32, #tpu.memory_space<vmem>>, vector<512x8xf32>
    %dot_general3A = arith.constant dense<0.000000e+00> : vector<512x96xf32>
    %dot_general3A_5 = tpu.matmul %get3A_4, %get3A_1, %dot_general3A {dimension_numbers = #tpu.dot_dimension_numbers<[1], [0], [0], [1], [0, 0, 1, 1], [], []>, transpose_lhs_hint = false} : vector<512x8xf32>, vector<8x96xf32>, vector<512x96xf32> -> vector<512x96xf32>
    %get3A_6 = arith.constant 0 : index
    %get3A_7 = arith.constant 0 : index
    %get3A_8 = vector.load %arg3[%get3A_6, %get3A_7] : memref<512x8xf32, #tpu.memory_space<vmem>>, vector<512x8xf32>
    %dot_general3A_9 = arith.constant dense<0.000000e+00> : vector<512x96xf32>
    %dot_general3A_10 = tpu.matmul %get3A_8, %get3A_1, %dot_general3A_9 {dimension_numbers = #tpu.dot_dimension_numbers<[1], [0], [0], [1], [0, 0, 1, 1], [], []>, transpose_lhs_hint = false} : vector<512x8xf32>, vector<8x96xf32>, vector<512x96xf32> -> vector<512x96xf32>
    %get3A_11 = arith.constant 0 : index
    %get3A_12 = arith.constant 0 : index
    %get3A_13 = vector.load %arg5[%get3A_11, %get3A_12] : memref<16x96xf32, #tpu.memory_space<vmem>>, vector<1x96xf32>
    %get3A_14 = arith.constant 1 : index
    %get3A_15 = arith.constant 0 : index
    %get3A_16 = vector.load %arg5[%get3A_14, %get3A_15] : memref<16x96xf32, #tpu.memory_space<vmem>>, vector<1x96xf32>
    %get3A_17 = arith.constant 2 : index
    %get3A_18 = arith.constant 0 : index
    %get3A_19 = vector.load %arg5[%get3A_17, %get3A_18] : memref<16x96xf32, #tpu.memory_space<vmem>>, vector<1x96xf32>
    %get3A_20 = arith.constant 3 : index
    %get3A_21 = arith.constant 0 : index
    %get3A_22 = vector.load %arg5[%get3A_20, %get3A_21] : memref<16x96xf32, #tpu.memory_space<vmem>>, vector<1x96xf32>
    %get3A_23 = arith.constant 4 : index
    %get3A_24 = arith.constant 0 : index
    %get3A_25 = vector.load %arg5[%get3A_23, %get3A_24] : memref<16x96xf32, #tpu.memory_space<vmem>>, vector<1x96xf32>
    %get3A_26 = arith.constant 5 : index
    %get3A_27 = arith.constant 0 : index
    %get3A_28 = vector.load %arg5[%get3A_26, %get3A_27] : memref<16x96xf32, #tpu.memory_space<vmem>>, vector<1x96xf32>
    %get3A_29 = arith.constant 6 : index
    %get3A_30 = arith.constant 0 : index
    %get3A_31 = vector.load %arg5[%get3A_29, %get3A_30] : memref<16x96xf32, #tpu.memory_space<vmem>>, vector<1x96xf32>
    %get3A_32 = arith.constant 7 : index
    %get3A_33 = arith.constant 0 : index
    %get3A_34 = vector.load %arg5[%get3A_32, %get3A_33] : memref<16x96xf32, #tpu.memory_space<vmem>>, vector<1x96xf32>
    %get3A_35 = arith.constant 8 : index
    %get3A_36 = arith.constant 0 : index
    %get3A_37 = vector.load %arg5[%get3A_35, %get3A_36] : memref<16x96xf32, #tpu.memory_space<vmem>>, vector<1x96xf32>
    %get3A_38 = arith.constant 9 : index
    %get3A_39 = arith.constant 0 : index
    %get3A_40 = vector.load %arg5[%get3A_38, %get3A_39] : memref<16x96xf32, #tpu.memory_space<vmem>>, vector<1x96xf32>
    %sub3A = vector.broadcast %get3A_13 : vector<1x96xf32> to vector<512x96xf32>
    %sub3A_41 = arith.subf %sub3A, %dot_general3A_5 : vector<512x96xf32>
    %abs3A = math.absf %sub3A_41 : vector<512x96xf32>
    %sub3A_42 = arith.subf %dot_general3A_10, %abs3A : vector<512x96xf32>
    %max3A = arith.constant 0.000000e+00 : f32
    %max3A_43 = vector.broadcast %max3A : f32 to vector<512x96xf32>
    %max3A_44 = arith.maximumf %sub3A_42, %max3A_43 : vector<512x96xf32>
    %sub3A_45 = vector.broadcast %get3A_16 : vector<1x96xf32> to vector<512x96xf32>
    %sub3A_46 = arith.subf %dot_general3A_5, %sub3A_45 : vector<512x96xf32>
    %integer_pow3A = arith.mulf %sub3A_46, %sub3A_46 : vector<512x96xf32>
    %sub3A_47 = vector.broadcast %get3A_19 : vector<1x96xf32> to vector<512x96xf32>
    %sub3A_48 = arith.subf %dot_general3A_10, %sub3A_47 : vector<512x96xf32>
    %integer_pow3A_49 = arith.mulf %sub3A_48, %sub3A_48 : vector<512x96xf32>
    %add3A = arith.addf %integer_pow3A, %integer_pow3A_49 : vector<512x96xf32>
    %mul3A = vector.broadcast %get3A_22 : vector<1x96xf32> to vector<512x96xf32>
    %mul3A_50 = arith.mulf %add3A, %mul3A : vector<512x96xf32>
    %exp3A = math.exp %mul3A_50 : vector<512x96xf32>
    %mul3A_51 = vector.broadcast %get3A_25 : vector<1x96xf32> to vector<512x96xf32>
    %mul3A_52 = arith.mulf %dot_general3A_5, %mul3A_51 : vector<512x96xf32>
    %mul3A_53 = vector.broadcast %get3A_28 : vector<1x96xf32> to vector<512x96xf32>
    %mul3A_54 = arith.mulf %dot_general3A_10, %mul3A_53 : vector<512x96xf32>
    %add3A_55 = arith.addf %mul3A_52, %mul3A_54 : vector<512x96xf32>
    %add3A_56 = vector.broadcast %get3A_31 : vector<1x96xf32> to vector<512x96xf32>
    %add3A_57 = arith.addf %add3A_55, %add3A_56 : vector<512x96xf32>
    %get3A_58 = arith.constant 0 : index
    %get3A_59 = memref.load %arg9[%get3A_58] : memref<1xf32, #tpu.memory_space<smem>>
    %abs3A_60 = math.absf %get3A_59 : f32
    %sub3A_61 = vector.broadcast %get3A_34 : vector<1x96xf32> to vector<512x96xf32>
    %sub3A_62 = arith.subf %dot_general3A_5, %sub3A_61 : vector<512x96xf32>
    %abs3A_63 = math.absf %sub3A_62 : vector<512x96xf32>
    %sub3A_64 = vector.broadcast %get3A_37 : vector<1x96xf32> to vector<512x96xf32>
    %sub3A_65 = arith.subf %dot_general3A_10, %sub3A_64 : vector<512x96xf32>
    %abs3A_66 = math.absf %sub3A_65 : vector<512x96xf32>
    %add3A_67 = arith.addf %abs3A_63, %abs3A_66 : vector<512x96xf32>
    %add3A_68 = arith.constant 1.000000e+00 : f32
    %add3A_69 = vector.broadcast %add3A_68 : f32 to vector<512x96xf32>
    %add3A_70 = arith.addf %add3A_69, %add3A_67 : vector<512x96xf32>
    %sub3A_71 = vector.broadcast %abs3A_60 : f32 to vector<512x96xf32>
    %sub3A_72 = arith.subf %sub3A_71, %add3A_67 : vector<512x96xf32>
    %abs3A_73 = math.absf %sub3A_72 : vector<512x96xf32>
    %add3A_74 = arith.constant 1.000000e+00 : f32
    %add3A_75 = vector.broadcast %add3A_74 : f32 to vector<512x96xf32>
    %add3A_76 = arith.addf %add3A_75, %abs3A_73 : vector<512x96xf32>
    %sub3A_77 = arith.subf %add3A_76, %add3A_70 : vector<512x96xf32>
    %mul3A_78 = arith.mulf %add3A_70, %add3A_76 : vector<512x96xf32>
    %div3A = arith.divf %sub3A_77, %mul3A_78 : vector<512x96xf32>
    %lt3A = arith.constant 5.000000e-01 : f32
    %lt3A_79 = vector.broadcast %lt3A : f32 to vector<1x96xf32>
    %lt3A_80 = arith.cmpf olt, %get3A_40, %lt3A_79 : vector<1x96xf32>
    %lt3A_81 = arith.constant 1.500000e+00 : f32
    %lt3A_82 = vector.broadcast %lt3A_81 : f32 to vector<1x96xf32>
    %lt3A_83 = arith.cmpf olt, %get3A_40, %lt3A_82 : vector<1x96xf32>
    %lt3A_84 = arith.constant 2.500000e+00 : f32
    %lt3A_85 = vector.broadcast %lt3A_84 : f32 to vector<1x96xf32>
    %lt3A_86 = arith.cmpf olt, %get3A_40, %lt3A_85 : vector<1x96xf32>
    %broadcast_in_dim3A = vector.shape_cast %lt3A_86 : vector<1x96xi1> to vector<1x96xi1>
    %broadcast_in_dim3A_87 = vector.broadcast %broadcast_in_dim3A : vector<1x96xi1> to vector<512x96xi1>
    %select_n3A = arith.select %broadcast_in_dim3A_87, %add3A_57, %div3A : vector<512x96xi1>, vector<512x96xf32>
    %broadcast_in_dim3A_88 = vector.shape_cast %lt3A_83 : vector<1x96xi1> to vector<1x96xi1>
    %broadcast_in_dim3A_89 = vector.broadcast %broadcast_in_dim3A_88 : vector<1x96xi1> to vector<512x96xi1>
    %select_n3A_90 = arith.select %broadcast_in_dim3A_89, %exp3A, %select_n3A : vector<512x96xi1>, vector<512x96xf32>
    %broadcast_in_dim3A_91 = vector.shape_cast %lt3A_80 : vector<1x96xi1> to vector<1x96xi1>
    %broadcast_in_dim3A_92 = vector.broadcast %broadcast_in_dim3A_91 : vector<1x96xi1> to vector<512x96xi1>
    %select_n3A_93 = arith.select %broadcast_in_dim3A_92, %max3A_44, %select_n3A_90 : vector<512x96xi1>, vector<512x96xf32>
    %get3A_94 = arith.constant 0 : index
    %get3A_95 = arith.constant 0 : index
    %get3A_96 = vector.load %arg1[%get3A_94, %get3A_95] : memref<512x256xf32, #tpu.memory_space<vmem>>, vector<512x256xf32>
    %get3A_97 = arith.constant 0 : index
    %get3A_98 = arith.constant 0 : index
    %get3A_99 = vector.load %arg6[%get3A_97, %get3A_98] : memref<256x256xf32, #tpu.memory_space<vmem>>, vector<256x256xf32>
    %dot_general3A_100 = arith.constant dense<0.000000e+00> : vector<512x256xf32>
    %dot_general3A_101 = tpu.matmul %get3A_96, %get3A_99, %dot_general3A_100 {dimension_numbers = #tpu.dot_dimension_numbers<[1], [0], [0], [1], [0, 0, 1, 1], [], []>, transpose_lhs_hint = false} : vector<512x256xf32>, vector<256x256xf32>, vector<512x256xf32> -> vector<512x256xf32>
    %get3A_102 = arith.constant 0 : index
    %get3A_103 = arith.constant 0 : index
    %get3A_104 = vector.load %arg7[%get3A_102, %get3A_103] : memref<96x256xf32, #tpu.memory_space<vmem>>, vector<96x256xf32>
    %dot_general3A_105 = arith.constant dense<0.000000e+00> : vector<512x256xf32>
    %dot_general3A_106 = tpu.matmul %select_n3A_93, %get3A_104, %dot_general3A_105 {dimension_numbers = #tpu.dot_dimension_numbers<[1], [0], [0], [1], [0, 0, 1, 1], [], []>, transpose_lhs_hint = false} : vector<512x96xf32>, vector<96x256xf32>, vector<512x256xf32> -> vector<512x256xf32>
    %add3A_107 = arith.addf %dot_general3A_101, %dot_general3A_106 : vector<512x256xf32>
    %get3A_108 = arith.constant 0 : index
    %get3A_109 = arith.constant 0 : index
    %get3A_110 = vector.load %arg8[%get3A_108, %get3A_109] : memref<1x256xf32, #tpu.memory_space<vmem>>, vector<1x256xf32>
    %add3A_111 = vector.broadcast %get3A_110 : vector<1x256xf32> to vector<512x256xf32>
    %add3A_112 = arith.addf %add3A_107, %add3A_111 : vector<512x256xf32>
    %swap3A = arith.constant 0 : index
    %swap3A_113 = arith.constant 0 : index
    %swap3A_114 = vector.load %arg10[%swap3A, %swap3A_113] : memref<512x256xf32, #tpu.memory_space<vmem>>, vector<512x256xf32>
    tpu.vector_store %arg10[%swap3A, %swap3A_113], %add3A_112 {strides = array<i32>} : memref<512x256xf32, #tpu.memory_space<vmem>>, vector<512x256xf32>,
    return
  }
  func.func @transform_0(%arg0: i32) -> (i32, i32) {
    %c0_i32 = arith.constant 0 : i32
    %c0_i32_0 = arith.constant 0 : i32
    return %arg0, %c0_i32 : i32, i32
  }
  func.func @transform_1(%arg0: i32) -> (i32, i32) {
    %c0_i32 = arith.constant 0 : i32
    %c0_i32_0 = arith.constant 0 : i32
    return %arg0, %c0_i32 : i32, i32
  }
  func.func @transform_2(%arg0: i32) -> (i32, i32) {
    %c0_i32 = arith.constant 0 : i32
    %c0_i32_0 = arith.constant 0 : i32
    return %arg0, %c0_i32 : i32, i32
  }
  func.func @transform_3(%arg0: i32) -> (i32, i32) {
    %c0_i32 = arith.constant 0 : i32
    %c0_i32_0 = arith.constant 0 : i32
    %c0_i32_1 = arith.constant 0 : i32
    return %c0_i32, %c0_i32_0 : i32, i32
  }
  func.func @transform_4(%arg0: i32) -> (i32, i32) {
    %c0_i32 = arith.constant 0 : i32
    %c0_i32_0 = arith.constant 0 : i32
    %c0_i32_1 = arith.constant 0 : i32
    return %c0_i32, %c0_i32_0 : i32, i32
  }
  func.func @transform_5(%arg0: i32) -> (i32, i32) {
    %c0_i32 = arith.constant 0 : i32
    %c0_i32_0 = arith.constant 0 : i32
    %c0_i32_1 = arith.constant 0 : i32
    return %c0_i32, %c0_i32_0 : i32, i32
  }
  func.func @transform_6(%arg0: i32) -> (i32, i32) {
    %c0_i32 = arith.constant 0 : i32
    %c0_i32_0 = arith.constant 0 : i32
    %c0_i32_1 = arith.constant 0 : i32
    return %c0_i32, %c0_i32_0 : i32, i32
  }
  func.func @transform_7(%arg0: i32) -> (i32, i32) {
    %c0_i32 = arith.constant 0 : i32
    %c0_i32_0 = arith.constant 0 : i32
    %c0_i32_1 = arith.constant 0 : i32
    return %c0_i32, %c0_i32_0 : i32, i32
  }
  func.func @transform_8(%arg0: i32) -> i32 {
    %c0_i32 = arith.constant 0 : i32
    %c0_i32_0 = arith.constant 0 : i32
    return %c0_i32 : i32
  }
  func.func @transform_9(%arg0: i32) -> (i32, i32) {
    %c0_i32 = arith.constant 0 : i32
    %c0_i32_0 = arith.constant 0 : i32
    return %arg0, %c0_i32 : i32, i32
  }
}

</mosaic_0001>

<sc_bundles>
// kernel: kernel.5.cloned.1.call-start
scs
__scs_entry_jumppad:
0x0: {  	(pc) =	sbr.rel $0x88, $3  }
0x1: {  	(tag) =	ssettag $0x0;
	lr =	simm.s32 $0x1  }
0x2: {  	[smem:$0x3F94] =	sst lr;
	_ =	strace $0xD0000000  }
0x3: {  	_ = 	snop  }
0x4: {  	_ = 	snop  }
0x5: {  	_ = 	snop  }
0x6: {  	_ = 	snop  }
0x7: {  	_ = 	snop  }
__scs_overlays_trampoline_lowered:
0x8: {  	[smem:$0x3FA3] =	sst s0  }
0x9: {  	[smem:$0x3FA4] =	sst s1  }
0xa: {  	[smem:$0x3FA5] =	sst s2  }
0xb: {  	[smem:$0x3FA6] =	sst s3  }
0xc: {  	[smem:$0x3FA7] =	sst s4  }
0xd: {  	[smem:$0x3FA8] =	sst s5  }
0xe: {  	[smem:$0x3FA9] =	sst s6  }
0xf: {  	[smem:$0x3FAA] =	sst s7  }
0x10: {  	[smem:$0x3FAB] =	sst s8  }
0x11: {  	[smem:$0x3FAC] =	sst s9;
	s0 =	simm.s32 @!p0 $0x0  }
0x12: {  	s1 =	sld [smem:$0x3F92];
	s0 =	simm.s32 @p0 $0x1  }
0x13: {  	[smem:$0x3FAD] =	sst s0;
	s0 =	simm.s32 @!p1 $0x0  }
0x14: {  	s2 =	sld [smem:$0x3F91];
	s0 =	simm.s32 @p1 $0x1  }
0x15: {  	[smem:$0x3FAE] =	sst s0;
	s0 =	simm.s32 @!p2 $0x0  }
0x16: {  	s3 =	sld [smem:$0x3FDB];
	s0 =	simm.s32 @p2 $0x1  }
0x17: {  	s4 =	simm.s32 $0x1BF5;
	[smem:$0x3FB0] =	sst s0  }
0x18: {  	s0 =	sld [smem:$0x3F93];
	_ =	swait.ge [sflag:s4], $0x0  }
0x19: {  	s7 =	sld [smem:$0x3F94]  }
0x1a: {  	s8 =	sadd.s32 $0xFFFFE003, lr  }
0x1b: {  	s9 =	sadd.s32 $0xFFFFFEF7, lr;
	s5 =	simm.s32 $0xFFFFFFFF;
	p2 =	slt.u32 s8, $0xFFFFF086  }
0x1c: {  	p1 =	slt.u32 s9, $0xF7A;
	s5 =	simm.s32 @!p2 $0x0  }
0x1d: {  	s5 =	simm.s32 @p1 $0x1;
	p0 =	seq.s32 s7, s2  }
0x1e: {  	s7 =	smul.u32 @!p0 $0xF7A, s2;
	p2 =	seq.s32 @!p0 s5, $0x0  }
0x1f: {  	s9 =	smul.u32 $0xF7A, s1;
	s8 =	simm.s32 @!p0 $0x1BF5;
	p2 =	por !p2, p0  }
0x20: {  	[sflag:s8] =	ssyncset.s32 @!p0 $0xFFFFF086;
	s6 =	sadd.s32 @!p0 s3, s7;
	s7 =	simm.s32 @!p0 $0x108  }
0x21: {  	s3 =	sadd.s32 s3, s9;
	s6 =	sadd.s32 @!p0 $0x88, s6;
	s7 =	simm.s32 @p2 $0x1082  }
0x22: {  	[simem:s7], [sflag:s8] =	dma.local @!p0 [hbm:s6], $0xF7A  }
0x23: {  	s9 =	sor.u32 $0xD0000000, s2;
	s6 =	simm.s32 $0x108;
	_ =	swait.ge @!p0 [sflag:s8], $0x0  }
0x24: {  	s3 =	sadd.s32 $0x88, s3;
	s6 =	simm.s32 @!p1 $0x1082;
	[sflag:s4] =	ssyncset.s32 $0xFFFFF086  }
0x25: {  	[simem:s6], [sflag:s4] =	dma.local [hbm:s3], $0xF7A  }
0x26: {  	[smem:$0x3F94] =	sst s1;
	(tag) =	ssettag s2;
	_ =	strace s9  }
0x27: {  	s1 =	sld [smem:$0x3FA4]  }
0x28: {  	s2 =	sld [smem:$0x3FA5]  }
0x29: {  	s4 =	sld [smem:$0x3FA7]  }
0x2a: {  	p0 =	seq.s32 s5, $0x0;
	s5 =	sld [smem:$0x3FA8]  }
0x2b: {  	s6 =	sld [smem:$0x3FA9]  }
0x2c: {  	s7 =	sld [smem:$0x3FAA]  }
0x2d: {  	s3 =	simm.s32 $0x108;
	s8 =	sld [smem:$0x3FAB]  }
0x2e: {  	s3 =	simm.s32 @!p0 $0x1082;
	s9 =	sld [smem:$0x3FAC]  }
0x2f: {  	lr =	sadd.s32 s0, s3;
	s0 =	sld [smem:$0x3FA3]  }
0x30: {  	s3 =	sld [smem:$0x3FA6]  }
0x31: {  	[smem:$0x3FAF] =	sst s10  }
0x32: {  	s10 =	sld [smem:$0x3FAD];
	_ =	sdelay $0x3  }
0x33: {  	p0 =	seq.s32 s10, $0x1;
	s10 =	sld [smem:$0x3FAF];
	_ =	sdelay $0x3  }
0x34: {  	[smem:$0x3FAF] =	sst s10  }
0x35: {  	s10 =	sld [smem:$0x3FAE];
	_ =	sdelay $0x3  }
0x36: {  	p1 =	seq.s32 s10, $0x1;
	s10 =	sld [smem:$0x3FAF];
	_ =	sdelay $0x3  }
0x37: {  	[smem:$0x3FAF] =	sst s10  }
0x38: {  	s10 =	sld [smem:$0x3FB0]  }
0x39: {  	_ = 	snop;
	(pc) =	sbr.ind lr, $3  }
0x3a: {  	_ = 	snop  }
0x3b: {  	_ = 	snop  }
0x3c: {  	p2 =	seq.s32 s10, $0x1;
	s10 =	sld [smem:$0x3FAF]  }
0x3d: {  	_ =	shalt  }
0x3e: {  	_ =	shalt  }
0x3f: {  	_ =	shalt  }
0x40: {  	_ =	shalt  }
0x41: {  	_ =	shalt  }
0x42: {  	_ =	shalt  }
0x43: {  	_ =	shalt  }
0x44: {  	_ =	shalt  }
0x45: {  	_ =	shalt  }
0x46: {  	_ =	shalt  }
0x47: {  	_ =	shalt  }
0x48: {  	_ =	shalt  }
0x49: {  	_ =	shalt  }
0x4a: {  	_ =	shalt  }
0x4b: {  	_ =	shalt  }
0x4c: {  	_ =	shalt  }
0x4d: {  	_ =	shalt  }
0x4e: {  	_ =	shalt  }
0x4f: {  	_ =	shalt  }
0x50: {  	_ =	shalt  }
0x51: {  	_ =	shalt  }
0x52: {  	_ =	shalt  }
0x53: {  	_ =	shalt  }
0x54: {  	_ =	shalt  }
0x55: {  	_ =	shalt  }
0x56: {  	_ =	shalt  }
0x57: {  	_ =	shalt  }
0x58: {  	_ =	shalt  }
0x59: {  	_ =	shalt  }
0x5a: {  	_ =	shalt  }
0x5b: {  	_ =	shalt  }
0x5c: {  	_ =	shalt  }
0x5d: {  	_ =	shalt  }
0x5e: {  	_ =	shalt  }
0x5f: {  	_ =	shalt  }
0x60: {  	_ =	shalt  }
0x61: {  	_ =	shalt  }
0x62: {  	_ =	shalt  }
0x63: {  	_ =	shalt  }
0x64: {  	_ =	shalt  }
0x65: {  	_ =	shalt  }
0x66: {  	_ =	shalt  }
0x67: {  	_ =	shalt  }
0x68: {  	_ =	shalt  }
0x69: {  	_ =	shalt  }
0x6a: {  	_ =	shalt  }
0x6b: {  	_ =	shalt  }
0x6c: {  	_ =	shalt  }
0x6d: {  	_ =	shalt  }
0x6e: {  	_ =	shalt  }
0x6f: {  	_ =	shalt  }
0x70: {  	_ =	shalt  }
0x71: {  	_ =	shalt  }
0x72: {  	_ =	shalt  }
0x73: {  	_ =	shalt  }
0x74: {  	_ =	shalt  }
0x75: {  	_ =	shalt  }
0x76: {  	_ =	shalt  }
0x77: {  	_ =	shalt  }
0x78: {  	_ =	shalt  }
0x79: {  	_ =	shalt  }
0x7a: {  	_ =	shalt  }
0x7b: {  	_ =	shalt  }
0x7c: {  	_ =	shalt  }
0x7d: {  	_ =	shalt  }
0x7e: {  	_ =	shalt  }
0x7f: {  	_ =	shalt  }
0x80: {  	_ =	shalt  }
0x81: {  	_ =	shalt  }
0x82: {  	_ =	shalt  }
0x83: {  	_ =	shalt  }
0x84: {  	_ =	shalt  }
0x85: {  	_ =	shalt  }
0x86: {  	_ =	shalt  }
0x87: {  	_ =	shalt  }
.Lfunc_end0:
.L_simem_size_0:
called_computation_lowered:
.L_overlay_start_0:
0x88: {  	s2 =	sld [smem:$0x3FD9]  }
0x89: {  	s3 =	sld [smem:$0x3FFE];
	_ =	sdelay $0x1  }
0x8a: {  	s1 =	srdreg.scid  }
0x8b: {  	s0 =	sand.u32 $0x1, s1  }
0x8c: {  	s17 =	sshll.u32 s0, $0xA;
	s2 =	sadd.s32 s3, s2  }
0x8d: {  	s2 =	sadd.s32 s2, s17  }
0x8e: {  	[smem:$0x3FBB] =	sst s2  }
0x8f: {  	_ = 	snop  }
0x90: {  	s2 =	sld [smem:$0x3FD0];
	(tm) =	ssettm $0x1  }
0x91: {  	s18 =	sld [smem:$0x3FFB];
	_ =	sdelay $0x3  }
0x92: {  	_ =	strace s18  }
0x93: {  	s3 =	sld [smem:$0x3FFC];
	_ =	sdelay $0x3  }
0x94: {  	_ =	strace s3  }
0x95: {  	s3 =	sld [smem:$0x3FFD];
	_ =	sdelay $0x3  }
0x96: {  	_ =	strace s3  }
0x97: {  	_ =	strace $0x8FFFFFFF  }
0x98: {  	s19 =	sld [smem:$0x3FDB];
	_ =	sdelay $0x1  }
0x99: {  	s4 =	simm.s32 $_scs_section_size  }
0x9a: {  	s5 =	simm.s32 $_size__tile_overlayer_lowered;
	s6 =	simm.s32 $_tile_overlayer_lowered  }
0x9b: {  	s22 =	simm.s32 $0x1BFF;
	s21 =	sshll.u32 s6, $0x1;
	s3 =	sadd.s32 s4, s19  }
0x9c: {  	s7 =	simm.s32 $0x0;
	s20 =	sshll.u32 s5, $0x1;
	s5 =	sadd.s32 s21, s3  }
0x9d: {  	[timem:s7], [sflag:s22] =	dma.local [hbm:s5], s20  }
0x9e: {  	_ =	swait.ge [sflag:s22], s20  }
0x9f: {  	s4 =	ssub.s32 $0x0, s20;
	[sflag:s22] =	ssyncset.done $0x0  }
0xa0: {  	[sflag:s22] =	ssyncadd.s32 s4;
	_ =	sdelay $0x1  }
0xa1: {  	s23 =	simm.s32 $0x1B8B  }
0xa2: {  	_ =	swait.ge [sflag:s23], $0x1  }
0xa3: {  	[sflag:s23] =	ssyncset.done $0x0  }
0xa4: {  	s25 =	simm.s32 $0x1B8E;
	s24 =	sld [smem:$0x3FFE];
	[sflag:s23] =	ssyncadd.s32 $0xFFFFFFFF  }
0xa5: {  	s26 =	simm.s32 $execute0_lowered;
	[smem:$0x3FD2] =	sst s25  }
0xa6: {  	s5 =	sshll.u32 s26, $0x1;
	_ =	strace $0x80000046;
	[dreg:$0x1] =	wrdreg $0xFFFFFFFF  }
0xa7: {  	s28 =	simm.s32 $_size_execute0_lowered;
	s3 =	sadd.s32 s3, s5;
	[dreg:$0x0] =	wrdreg $0x0  }
0xa8: {  	s5 =	sshll.u32 s28, $0x1;
	[dreg:$0x2] =	wrdreg s3  }
0xa9: {  	[dreg:$0x3] =	wrdreg s5  }
0xaa: {  	[dreg:$0x4] =	wrdreg $0xC0  }
0xab: {  	_ =	task [dreg:s7], $0x5FFFF  }
0xac: {  	[dreg:$0x1] =	wrdreg $0xFFFFFFFF  }
0xad: {  	[dreg:$0x0] =	wrdreg $0x60  }
0xae: {  	[dreg:$0x2] =	wrdreg s2  }
0xaf: {  	[dreg:$0x3] =	wrdreg s24  }
0xb0: {  	[dreg:$0x4] =	wrdreg $0x164000  }
0xb1: {  	[dreg:$0x5] =	wrdreg $0x174400  }
0xb2: {  	[dreg:$0x6] =	wrdreg $0x9  }
0xb3: {  	_ =	task.clear_ibuf [dreg:s7], $0x7FFFF;
	_ =	strace $0x90000046  }
0xb4: {  	s29 =	simm.s32 $0x9;
	_ =	strace $0x80000048  }
0xb5: {  	_ =	swait.ge [sflag:s29], $0x1  }
0xb6: {  	[sflag:s29] =	ssyncadd.s32 $0xFFFFFFFF  }
0xb7: {  	_ =	strace $0x90000048  }
0xb8: {  	_ =	sfence  }
0xb9: {  	s30 =	sld [smem:$0x0];
	_ =	sdelay $0x2  }
0xba: {  	s31 =	sshll.u32 s1, $0xD;
	s1 =	sshrl.u32 s1, $0x2  }
0xbb: {  	s3 =	sand.u32 $0x4000, s31;
	s1 =	sadd.s32 s1, s30  }
0xbc: {  	s0 =	sor.u32 s3, s0;
	s1 =	sshll.u32 s1, $0x11  }
0xbd: {  	s0 =	sor.u32 s1, s0  }
0xbe: {  	s0 =	sadd.s32 $0x8F2B, s0  }
0xbf: {  	[sflag:s0] =	ssyncadd.remote.s32 $0x1  }
0xc0: {  	_ =	sfence.sel $0xFFFF  }
0xc1: {  	[dreg:$0x0] =	wrdreg $0xFFFFFFFF;
	(pc) =	sbr.abs _section_cstart, $3  }
0xc2: {  	[dreg:$0x1] =	wrdreg $0xFFFFFFFF  }
0xc3: {  	_ =	task.clear_ibuf [dreg:s7], $0x2FFFF;
	_ =	strace $0x9FFFFFFF  }
0xc4: {  	(tm) =	ssettm $0x7FFFFFFF  }
0xc5: {  	_ =	shalt  }
tec
execute0_lowered:
.L_overlay_start_1:
0x0: {  	(tag) =	ssettag $0x1  }
0x1: {  	s4 =	rddreg [dreg:$0x0]  }
0x2: {  	s5 =	rddreg [dreg:$0x1]  }
0x3: {  	s7 =	rddreg [dreg:$0x2]  }
0x4: {  	s2 =	rddreg [dreg:$0x3];
	s0 =	stileid.u32  }
0x5: {  	s6 =	srdreg.scid;
	s3 =	simm.s32 $0x0;
	s15 =	simm.s32 $0xE100  }
0x6: {  	s16 =	simm.s32 $0xF180;
	s17 =	simm.s32 $0x10200;
	s18 =	simm.s32 $0x80  }
0x7: {  	s19 =	simm.s32 $0x400;
	s20 =	simm.s32 $0x800;
	s21 =	simm.s32 $0x8400  }
0x8: {  	s22 =	simm.s32 $0x11280;
	s23 =	simm.s32 $0x12280;
	s24 =	simm.s32 $0x13300  }
0x9: {  	s25 =	simm.s32 $0x0;
	s9 =	sand.u32 $0x1, s6;
	s8 =	smul.u32 $0x188, s0  }
0xa: {  	s26 =	sshll.u32 s0, $0x1;
	[smem:$0x7FF] =	sst s3;
	s11 =	smul.u32 $0xC40, s0  }
0xb: {  	s12 =	sshrl.u32 s0, $0x3;
	s28 =	sshll.u32 s0, $0x7;
	s30 =	sshll.u32 s0, $0xB  }
0xc: {  	s31 =	sshll.u32 s0, $0x8;
	s6 =	sor.u32 s9, s26;
	s12 =	smul.u32 $0x21000, s12  }
0xd: {  	v0 =	vimm.s32 $0xFEDCBA98;
	_ =	strace $0x80000047;
	s10 =	ssub.s32 $0x2, s9;
	s9 =	smul.u32 $0x3100, s9  }
0xe: {  	v1 =	vimm.s32 $0x76543210;
	v0 =	vunpack.c.l.s4.s8 v0;
	s6 =	smul.u32 $0x620, s6;
	s8 =	sadd.s32 s8, s5;
	s13 =	sshrl.u32 s10, $0x1  }
0xf: {  	v1 =	vunpack.c.l.s4.s8 v1;
	s4 =	sadd.s32 s4, s11;
	s13 =	ssub.s32 s10, s13;
	s29 =	sshrl.u32 s12, $0x2  }
0x10: {  	v2 =	vunpack.c.0.s8.s32 v0;
	s12 =	simm.s32 $0x1;
	s14 =	sadd.s32 s6, s5;
	s5 =	sadd.s32 $0xC6400, s8  }
0x11: {  	v3 =	vlaneseq.u32;
	v4 =	vunpack.c.0.s8.s32 v1;
	s6 =	sand.u32 $0x380, s28;
	s8 =	sadd.s32 s29, s7;
	s7 =	sadd.s32 s30, s7  }
0x12: {  	v0 =	vimm.f32 $-3.399999950e+38;
	v1 =	vshrl.u32 v3, $0x3;
	s11 =	smax.u32 s13, $0x1;
	s13 =	simm.s32 $0x6200;
	v5 =	vand.u32 $0xF, v2;
	s6 =	sadd.s32 s6, s8  }
0x13: {  	v2 =	vand.u32 $0x7, v3;
	s8 =	sadd.s32 s31, s2;
	s10 =	sadd.s32 $0xC7E00, s14;
	s14 =	simm.s32 $0xD080;
	v3 =	vcombine.low v5, v4;
	v4 =	vimm.f32 $0.0e+00  }
.LBB2_1:
0x14: {  	s28 =	simm.s32 $0x40;
	s26 =	simm.s32 $0x0  }
.LBB2_2:
0x15: {  	p0 =	sne.s32 s28, $0x40C0;
	[tilespmem:s26+$0x10200] =	vst v0;
	s29 =	smov.u32 s28;
	s28 =	sadd.s32 $0x40, s28  }
.Ltmp0:
0x16: {  	[tilespmem:s26+$0xF180] =	vst v0;
	(pc) =	sbr.rel @p0 .LBB2_2-.Ltmp0, $3  }
0x17: {  	[tilespmem:s26+$0xD080] =	vst v0  }
0x18: {  	[tilespmem:s26+$0xE100] =	vst v0;
	_ =	sdelay $0x1  }
0x19: {  	s26 =	sshra.s32 s29, $0x2  }
0x1a: {  	[tilespmem:s26+$0x10200] =	vst v0  }
0x1b: {  	[tilespmem:s26+$0xF180] =	vst v0  }
0x1c: {  	[tilespmem:s26+$0xD080] =	vst v0  }
0x1d: {  	[tilespmem:s26+$0xE100] =	vst v0;
	s26 =	simm.s32 $0x0  }
0x1e: {  	[tilespmem:s26], [sflag:$0x1] =	stream.linear.gather [hbm4b:s4+s26], $0x6200, $0x38;
	[tilespmem:$0x17540] =	vst v63  }
0x1f: {  	_ =	swait.ge [sflag:s12], $0x6200  }
0x20: {  	[sflag:s12] =	ssyncset.done $0x0  }
0x21: {  	[sflag:s12] =	ssyncadd.s32 $0xFFFF9E00  }
0x22: {  	[tilespmem:s13], [sflag:$0x1] =	stream.linear.gather [hbm4b:s5+s26], $0xC40, $0x38;
	[tilespmem:$0x17540] =	vst v63  }
0x23: {  	_ =	swait.ge [sflag:s12], $0xC40  }
0x24: {  	[sflag:s12] =	ssyncset.done $0x0  }
0x25: {  	s28 =	simm.s32 $0x930;
	s29 =	simm.s32 $0x6E80;
	[sflag:s12] =	ssyncadd.s32 $0xFFFFF3C0  }
.LBB2_4:
0x26: {  	s30 =	sadd.s32 $0xFFFFF6D0, s28  }
0x27: {  	v5 =	vor.u32 s30, v1;
	_ =	sdelay $0x4  }
0x28: {  	v5 =	vld.idx.msk [tilespmem:v5+s13+$0x0], $0xffff;
	_ =	sdelay $0x4  }
0x29: {  	v5 =	vshll.u32 v5, $0x3  }
0x2a: {  	v5 =	vor.u32 v2, v5;
	_ =	sdelay $0x3  }
0x2b: {  	v6 =	vld [tilespmem:s26+$0x0];
	[tilespmem:s29+$0x0] =	vst v5  }
0x2c: {  	v7 =	vld.idx.msk [tilespmem:v5+s14+$0x0], $0xffff;
	_ =	sdelay $0x4  }
0x2d: {  	s1 =	sadd.s32 $0xFFFFF9E0, s28;
	v6 =	vmax.f32 v7, v6  }
0x2e: {  	v9 =	vor.u32 s1, v1;
	v7 =	vperm.xlane v5, v3;
	v8 =	vperm.xlane v6, v3;
	_ =	sdelay $0x1  }
0x2f: {  	vm0 =	veq.s32 v5, v7;
	v7 =	vmax.f32 v6, v8  }
0x30: {  	v6 =	vsel vm0, v7, v6  }
0x31: {  	[tilespmem:v5+s14+$0x0] =	vst.idx.msk $0xffff, v6  }
0x32: {  	v5 =	vld.idx.msk [tilespmem:v9+s13+$0x0], $0xffff;
	_ =	sdelay $0x4  }
0x33: {  	v5 =	vshll.u32 v5, $0x3  }
0x34: {  	v5 =	vor.u32 v2, v5;
	_ =	sdelay $0x3  }
0x35: {  	v6 =	vld [tilespmem:s26+$0x1880];
	[tilespmem:s29+$0x1880] =	vst v5  }
0x36: {  	v7 =	vld.idx.msk [tilespmem:v5+s15+$0x0], $0xffff;
	_ =	sdelay $0x4  }
0x37: {  	s31 =	sadd.s32 $0xFFFFFCF0, s28;
	v6 =	vmax.f32 v7, v6  }
0x38: {  	v60 =	vor.u32 s31, v1;
	v7 =	vperm.xlane v5, v3;
	v59 =	vperm.xlane v6, v3;
	_ =	sdelay $0x1  }
0x39: {  	vm13 =	veq.s32 v5, v7;
	v7 =	vmax.f32 v6, v59  }
0x3a: {  	v6 =	vsel vm13, v7, v6  }
0x3b: {  	[tilespmem:v5+s15+$0x0] =	vst.idx.msk $0xffff, v6  }
0x3c: {  	v5 =	vld.idx.msk [tilespmem:v60+s13+$0x0], $0xffff;
	_ =	sdelay $0x4  }
0x3d: {  	v5 =	vshll.u32 v5, $0x3  }
0x3e: {  	v5 =	vor.u32 v2, v5;
	_ =	sdelay $0x3  }
0x3f: {  	v6 =	vld [tilespmem:s26+$0x3100];
	[tilespmem:s29+$0x3100] =	vst v5  }
0x40: {  	v7 =	vld.idx.msk [tilespmem:v5+s16+$0x0], $0xffff;
	_ =	sdelay $0x4  }
0x41: {  	v6 =	vmax.f32 v7, v6  }
0x42: {  	v62 =	vor.u32 s28, v1;
	v7 =	vperm.xlane v5, v3;
	v61 =	vperm.xlane v6, v3;
	_ =	sdelay $0x1  }
0x43: {  	vm14 =	veq.s32 v5, v7;
	v7 =	vmax.f32 v6, v61  }
0x44: {  	v6 =	vsel vm14, v7, v6  }
0x45: {  	[tilespmem:v5+s16+$0x0] =	vst.idx.msk $0xffff, v6  }
0x46: {  	v5 =	vld.idx.msk [tilespmem:v62+s13+$0x0], $0xffff;
	_ =	sdelay $0x4  }
0x47: {  	v5 =	vshll.u32 v5, $0x3  }
0x48: {  	v5 =	vor.u32 v2, v5;
	_ =	sdelay $0x3  }
0x49: {  	v6 =	vld [tilespmem:s26+$0x4980];
	[tilespmem:s29+$0x4980] =	vst v5  }
0x4a: {  	v7 =	vld.idx.msk [tilespmem:v5+s17+$0x0], $0xffff;
	_ =	sdelay $0x4  }
0x4b: {  	p0 =	sne.s32 s28, $0xC3E;
	v6 =	vmax.f32 v7, v6  }
.Ltmp1:
0x4c: {  	v7 =	vperm.xlane v5, v3;
	v63 =	vperm.xlane v6, v3;
	(pc) =	sbr.rel @p0 .LBB2_4-.Ltmp1, $4  }
0x4d: {  	_ = 	snop  }
0x4e: {  	vm15 =	veq.s32 v5, v7;
	v7 =	vmax.f32 v6, v63  }
0x4f: {  	v6 =	vsel vm15, v7, v6  }
0x50: {  	s28 =	sadd.s32 $0x2, s28;
	s26 =	sadd.s32 $0x10, s26;
	s29 =	sadd.s32 $0x10, s29;
	[tilespmem:v5+s17+$0x0] =	vst.idx.msk $0xffff, v6  }
0x51: {  	s26 =	simm.s32 $0x0  }
0x52: {  	v5 =	vld [tilespmem:s26+$0xE100]  }
0x53: {  	v6 =	vld [tilespmem:s26+$0xF180]  }
0x54: {  	s28 =	simm.s32 $0x40;
	v7 =	vld [tilespmem:s26+$0x10200]  }
.LBB2_6:
0x55: {  	p0 =	sne.s32 s28, $0x40C0;
	v8 =	vld [tilespmem:s26+$0xD080];
	_ =	sdelay $0x2  }
.Ltmp2:
0x56: {  	(pc) =	sbr.rel @p0 .LBB2_6-.Ltmp2, $4  }
0x57: {  	s29 =	sshra.s32 s28, $0x2  }
0x58: {  	v7 =	vmax.f32 v6, v7;
	v8 =	vmax.f32 v8, v5;
	v5 =	vld [tilespmem:s29+$0xE100]  }
0x59: {  	v6 =	vld [tilespmem:s29+$0xF180];
	v8 =	vmax.f32 v8, v7  }
0x5a: {  	s28 =	sadd.s32 $0x40, s28;
	v7 =	vld [tilespmem:s29+$0x10200];
	[tilespmem:s26+$0xD080] =	vst v8;
	s26 =	smov.u32 s29  }
0x5b: {  	v8 =	vld [tilespmem:s26+$0xD080];
	_ =	sdelay $0x4  }
0x5c: {  	v6 =	vmax.f32 v6, v7;
	v5 =	vmax.f32 v8, v5  }
0x5d: {  	v5 =	vmax.f32 v5, v6  }
0x5e: {  	[tilespmem:s26+$0xD080] =	vst v5  }
0x5f: {  	[spmem:s6] =	stream.strided.scatter [tilespmem:s14], [sflag:$0x1], $0x1080, s19, s18, $0x38;
	[tilespmem:$0x17540] =	vst v63  }
0x60: {  	_ =	swait.ge [sflag:s12], $0x1080  }
0x61: {  	[sflag:s12] =	ssyncset.done $0x0  }
0x62: {  	[sflag:s12] =	ssyncadd.s32 $0xFFFFEF80  }
0x63: {  	[bflag:$0x0] =	sbarrier.arrive $0xFFFF  }
0x64: {  	[tilespmem:s22], [sflag:$0x1] =	stream.strided.gather [spmem:s7], $0x1000, s21, s20, $0x38;
	[tilespmem:$0x17540] =	vst v63  }
0x65: {  	_ =	swait.ge [sflag:s12], $0x1000  }
0x66: {  	[sflag:s12] =	ssyncset.done $0x0  }
0x67: {  	s26 =	simm.s32 $0x0;
	[sflag:s12] =	ssyncadd.s32 $0xFFFFF000  }
.LBB2_8:
0x68: {  	s28 =	sshll.u32 s26, $0x4  }
0x69: {  	s30 =	sand.u32 $0x70, s28  }
0x6a: {  	s29 =	sshll.u32 s26, $0x7;
	v5 =	vmov s30  }
0x6b: {  	s31 =	simm.s32 $0x100;
	s29 =	sand.u32 $0x400, s29  }
0x6c: {  	s0 =	simm.s32 $0x80;
	s31 =	sand.u32 $0x800, s31;
	s29 =	sor.u32 $0x11280, s29  }
0x6d: {  	s0 =	sand.u32 $0x380, s0;
	s30 =	sor.u32 s30, s29;
	s31 =	sadd.s32 s31, s29  }
0x6e: {  	v6 =	vld [tilespmem:s30+$0x0];
	s0 =	sadd.s32 s0, s31  }
0x6f: {  	v7 =	vld.idx.msk [tilespmem:v5+s0+$0x0 ss:$0x1], $0xffff  }
0x70: {  	s30 =	simm.s32 $0x200;
	s31 =	simm.s32 $0x100  }
.LBB2_9:
0x71: {  	s0 =	sand.u32 $0x800, s30;
	p0 =	sne.s32 s30, $0xF00;
	s30 =	sadd.s32 $0x100, s30  }
.Ltmp3:
0x72: {  	s1 =	sand.u32 $0x380, s31;
	s0 =	sadd.s32 s0, s29;
	(pc) =	sbr.rel @p0 .LBB2_9-.Ltmp3, $3  }
0x73: {  	s0 =	sadd.s32 s1, s0  }
0x74: {  	v6 =	vmax.f32 v6, v7;
	v7 =	vld.idx.msk [tilespmem:v5+s0+$0x0 ss:$0x1], $0xffff;
	_ =	sdelay $0x1  }
0x75: {  	s31 =	sadd.s32 $0x80, s31  }
0x76: {  	s26 =	sadd.s32 $0x1, s26  }
0x77: {  	p0 =	sne.s32 s26, $0x10  }
.Ltmp4:
0x78: {  	_ = 	snop;
	(pc) =	sbr.rel @p0 .LBB2_8-.Ltmp4, $3  }
0x79: {  	_ =	sdelay $0x1  }
0x7a: {  	v5 =	vmax.f32 v6, v7  }
0x7b: {  	[tilespmem:s28+$0x12280] =	vst v5  }
0x7c: {  	[spmem:s8] =	stream.linear.scatter [tilespmem:s23], [sflag:$0x1], $0x100, $0x38;
	[tilespmem:$0x17540] =	vst v63  }
0x7d: {  	_ =	swait.ge [sflag:s12], $0x100  }
0x7e: {  	[sflag:s12] =	ssyncset.done $0x0  }
0x7f: {  	[sflag:s12] =	ssyncadd.s32 $0xFFFFFF00  }
0x80: {  	[bflag:$0x0] =	sbarrier.arrive $0xFFFF  }
0x81: {  	[tilespmem:s23], [sflag:$0x1] =	stream.linear.gather [spmem:s2], $0x1000, $0x38;
	[tilespmem:$0x17540] =	vst v63  }
0x82: {  	_ =	swait.ge [sflag:s12], $0x1000  }
0x83: {  	[sflag:s12] =	ssyncset.done $0x0  }
0x84: {  	[sflag:s12] =	ssyncadd.s32 $0xFFFFF000  }
0x85: {  	[tilespmem:$0x13280] =	vst v4  }
0x86: {  	[tilespmem:$0x13290] =	vst v4  }
0x87: {  	[tilespmem:$0x132A0] =	vst v4  }
0x88: {  	s26 =	simm.s32 $0x24C0;
	s28 =	simm.s32 $0x13300;
	[tilespmem:$0x132B0] =	vst v4  }
.LBB2_12:
0x89: {  	s0 =	sadd.s32 s26, s9  }
0x8a: {  	s1 =	sadd.s32 $0xFFFFDB40, s26;
	s29 =	sadd.s32 $0xFFFFDB40, s0  }
0x8b: {  	s1 =	sand.u32 $0x70, s1;
	s29 =	sand.u32 $0x7F80, s29  }
0x8c: {  	s29 =	sor.u32 s1, s29  }
0x8d: {  	v5 =	vld [tilespmem:s29+$0x6E80];
	_ =	sdelay $0x7  }
0x8e: {  	v5 =	vld.idx.msk [tilespmem:v5+s23+$0x0], $0xffff;
	_ =	sdelay $0x2  }
0x8f: {  	s31 =	sadd.s32 $0xFFFFE780, s26;
	s30 =	sadd.s32 $0xFFFFE780, s0  }
0x90: {  	s30 =	sand.u32 $0x7F80, s30;
	s29 =	sand.u32 $0x70, s31  }
0x91: {  	s29 =	sor.u32 s29, s30;
	[tilespmem:s28+$0x0] =	vst v5  }
0x92: {  	v5 =	vld [tilespmem:s29+$0x6E80];
	_ =	sdelay $0x7  }
0x93: {  	v5 =	vld.idx.msk [tilespmem:v5+s23+$0x0], $0xffff;
	_ =	sdelay $0x2  }
0x94: {  	s31 =	sadd.s32 $0xFFFFF3C0, s0  }
0x95: {  	s29 =	sand.u32 $0x7F80, s31  }
0x96: {  	s29 =	sor.u32 s1, s29;
	[tilespmem:s28+$0xC40] =	vst v5  }
0x97: {  	v5 =	vld [tilespmem:s29+$0x6E80];
	_ =	sdelay $0x7  }
0x98: {  	v5 =	vld.idx.msk [tilespmem:v5+s23+$0x0], $0xffff;
	_ =	sdelay $0x1  }
0x99: {  	s30 =	sadd.s32 $0xFFFFF3C0, s26  }
0x9a: {  	s29 =	sand.u32 $0x3F80, s30  }
0x9b: {  	s0 =	sand.u32 $0x7F80, s0;
	s31 =	sand.u32 $0x70, s26;
	s1 =	sor.u32 s1, s29  }
0x9c: {  	s0 =	sor.u32 s31, s0;
	[tilespmem:s1+$0x13300] =	vst v5  }
0x9d: {  	v5 =	vld [tilespmem:s0+$0x6E80];
	_ =	sdelay $0x7  }
0x9e: {  	p0 =	sne.s32 s26, $0x30F0;
	v5 =	vld.idx.msk [tilespmem:v5+s23+$0x0], $0xffff  }
.Ltmp5:
0x9f: {  	_ = 	snop;
	(pc) =	sbr.rel @p0 .LBB2_12-.Ltmp5, $2  }
0xa0: {  	_ =	sdelay $0x2  }
0xa1: {  	s26 =	sadd.s32 $0x10, s26;
	[tilespmem:s28+$0x24C0] =	vst v5;
	s28 =	sadd.s32 $0x10, s28  }
0xa2: {  	s25 =	sadd.s32 $0x1, s25  }
0xa3: {  	p0 =	sne.s32 s25, s11  }
.Ltmp6:
0xa4: {  	_ = 	snop;
	(pc) =	sbr.rel @p0 .LBB2_1-.Ltmp6, $4  }
0xa5: {  	[hbm4b:s10+s3] =	stream.linear.scatter [tilespmem:s24], [sflag:$0x1], $0x3100, $0x38;
	[tilespmem:$0x17540] =	vst v63  }
0xa6: {  	_ =	swait.ge [sflag:s12], $0x3100  }
0xa7: {  	[sflag:s12] =	ssyncset.done $0x0  }
0xa8: {  	[sflag:s12] =	ssyncadd.s32 $0xFFFFCF00  }
0xa9: {  	_ =	sfence.sel $0x180000  }
0xaa: {  	[bflag:$0x0] =	sbarrier.arrive $0xFFFF  }
0xab: {  	_ =	strace $0x90000047  }
0xac: {  	s0 =	stileid.u32;
	[bflag:$0x2] =	sbarrier.arrive $0xFFFF  }
0xad: {  	p0 =	sne.s32 s0, $0x0;
	s0 =	rddreg [dreg:$0x4]  }
0xae: {  	s0 =	sadd.s32 @!p0 $0x100000, s0  }
0xaf: {  	[sflag:s0] =	ssyncadd.tile.s32 @!p0 $0x1;
	_ =	shalt  }
.Lfunc_end2:
_tile_overlayer_lowered:
.L_overlay_start_2:
0xb0: {  	(tag) =	ssettag $0x2  }
0xb1: {  	s0 =	rddreg [dreg:$0x0];
	s2 =	stileid.u32  }
0xb2: {  	s1 =	rddreg [dreg:$0x1];
	p0 =	sne.s32 s2, $0x0  }
0xb3: {  	s3 =	rddreg [dreg:$0x2];
	[bflag:$0x3] =	sbarrier.arrive $0xFFFF;
	s2 =	simm.s32 @!p0 $0x1C01  }
0xb4: {  	[timem:s3], [sflag:s2] =	dma.local @!p0 [hbm:s0], s1  }
0xb5: {  	s0 =	simm.s32 @!p0 $0x1  }
0xb6: {  	_ =	swait.ge @!p0 [sflag:s0], s1  }
0xb7: {  	s1 =	ssub.s32 @!p0 $0x0, s1;
	[sflag:s0] =	ssyncset.done @!p0 $0x0  }
0xb8: {  	[sflag:s0] =	ssyncadd.s32 @!p0 s1  }
0xb9: {  	[bflag:$0x3] =	sbarrier.arrive $0xFFFF  }
0xba: {  	_ =	shalt  }

</sc_bundles>
